<compile_context>
chip_gen: v7x
topology: tpu7x:2x2x1
jax: 0.10.2.dev20260603
libtpu: 0.0.44.dev20260713+nightly
codegen_flags: <defaults>
</compile_context>

<pallas_src>
import functools

import jax
import jax.numpy as jnp
from jax import lax
from jax.experimental import pallas as pl
from jax.experimental.pallas import tpu as pltpu
from jax.experimental.pallas import tpu_sc as plsc

DOC_LEN = 16384
DIMS = 128
CLASSES = 1000

NC = 2
NS = 16
NW = NC * NS
PER_W = DOC_LEN // NW
CHUNK = 128
NCHUNK = PER_W // CHUNK
LANES = 16
NVREG = DIMS // LANES
PAD_C = 1024


def _sc_body(nums_hbm, emb_hbm, out_hbm, idx_v, rows_v, acc_v, sem_a, sem_b):
    wid = lax.axis_index("s") * NC + lax.axis_index("c")
    pltpu.sync_copy(nums_hbm.at[wid], idx_v)
    sems = (sem_a, sem_b)
    cp = pltpu.async_copy(emb_hbm.at[idx_v.at[0]], rows_v.at[0], sems[0])
    accs = tuple(jnp.zeros((LANES,), jnp.float32) for _ in range(NVREG))
    for ch in range(NCHUNK):
        nxt = None
        if ch + 1 < NCHUNK:
            nxt = pltpu.async_copy(
                emb_hbm.at[idx_v.at[ch + 1]], rows_v.at[ch + 1],
                sems[(ch + 1) % 2])
        cp.wait()

        def row_body(i, a, _ch=ch):
            return tuple(
                a[j] + rows_v[_ch, i, pl.ds(j * LANES, LANES)]
                for j in range(NVREG))

        accs = lax.fori_loop(0, CHUNK, row_body, accs)
        cp = nxt
    for j in range(NVREG):
        acc_v[pl.ds(j * LANES, LANES)] = accs[j]
    pltpu.sync_copy(acc_v, out_hbm.at[wid])


_sc_gather_sum = functools.partial(
    pl.kernel,
    mesh=plsc.VectorSubcoreMesh(core_axis_name="c", subcore_axis_name="s"),
    out_type=jax.ShapeDtypeStruct((NW, DIMS), jnp.float32),
    scratch_types=[
        pltpu.VMEM((NCHUNK, CHUNK), jnp.int32),
        pltpu.VMEM((NCHUNK, CHUNK, DIMS), jnp.float32),
        pltpu.VMEM((DIMS,), jnp.float32),
        pltpu.SemaphoreType.DMA,
        pltpu.SemaphoreType.DMA,
    ],
)(_sc_body)


def _tc_body(k_ref, part_ref, w_ref, b_ref, out_ref):
    doc = jnp.sum(part_ref[...], axis=0, keepdims=True)
    logits = jnp.dot(doc, w_ref[...],
                     preferred_element_type=jnp.float32) + b_ref[...]
    m = jnp.max(logits)
    lse = jnp.log(jnp.sum(jnp.exp(logits - m))) + m
    col = lax.broadcasted_iota(jnp.int32, (1, PAD_C), 1)
    sel = jnp.sum(jnp.where(col == k_ref[0], logits, 0.0))
    out_ref[0, 0] = lse - sel


def _tc_tail(karr, partials, w_pad, b_pad):
    return pl.pallas_call(
        _tc_body,
        out_shape=jax.ShapeDtypeStruct((1, 1), jnp.float32),
        in_specs=[
            pl.BlockSpec(memory_space=pltpu.SMEM),
            pl.BlockSpec(memory_space=pltpu.VMEM),
            pl.BlockSpec(memory_space=pltpu.VMEM),
            pl.BlockSpec(memory_space=pltpu.VMEM),
        ],
        out_specs=pl.BlockSpec(memory_space=pltpu.SMEM),
    )(karr, partials, w_pad, b_pad)


def kernel(nums, emb, W, b, k):
    nums3 = nums.reshape(NW, NCHUNK, CHUNK).astype(jnp.int32)
    partials = _sc_gather_sum(nums3, emb)
    c = W.shape[1]
    w_pad = jnp.pad(W, ((0, 0), (0, PAD_C - c)))
    b_pad = jnp.pad(b, (0, PAD_C - c),
                    constant_values=-1e30).reshape(1, PAD_C)
    karr = jnp.asarray(k, jnp.int32).reshape(1)
    loss = _tc_tail(karr, partials, w_pad, b_pad)
    return loss[0, 0]

# --- scband reference (transcript-rebuilt; emitter-appended) ---
"""Pipeline reference for scband-neural-classifier-49203145343374 (READ-ONLY COPY).

The authoritative reference and input builder live on the scoring server;
editing this copy changes nothing except your own understanding.
"""

import jax, jax.numpy as jnp
import numpy as np

VOCAB = 100000
DIMS = 128
CLASSES = 1000
DOC_LEN = 16384

def setup_inputs(seed: int = 0) -> dict:
    key = jax.random.key(seed)
    k1, k2, k3 = jax.random.split(key, 3)
    nums = jax.random.randint(k1, (DOC_LEN,), 0, VOCAB)
    emb = jax.random.normal(k2, (VOCAB, DIMS), dtype=jnp.float32) * 0.02
    W = jax.random.normal(k3, (DIMS, CLASSES), dtype=jnp.float32) * 0.05
    b = jnp.zeros((CLASSES,), dtype=jnp.float32)
    return {"nums": nums, "emb": emb, "W": W, "b": b, "k": 7}

def reference(nums, emb, W, b, k):
    # Embedding lookup: encs = self.emb(nums)
    encs = jnp.take(emb, nums, axis=0)
    # doc = torch.sum(encs, 0)
    doc = jnp.sum(encs, axis=0)
    # SoftmaxLayer: linear projection + log-softmax (log-probabilities, as fed to NLLLoss)
    logits = doc @ W + b
    logp = jax.nn.log_softmax(logits)
    # NLLLoss with target class k on a [1, classes] log-prob row
    loss = -logp[k]
    return loss

if __name__ == "__main__":
    import jax
    _d = setup_inputs()
    print(jax.jit(kernel)(*tuple(_d.values())))

</pallas_src>

<mosaic_0001>
#map = affine_map<(d0, d1) -> (0, 0, 0)>
#map1 = affine_map<(d0, d1) -> (0, 0)>
module attributes {stable_mosaic.version = 14 : i64} {
  func.func @_sc_body(%arg0: i32, %arg1: i32, %arg2: memref<32x4x128xi32, #tpu.memory_space<hbm>>, %arg3: memref<100000x128xf32, #tpu.memory_space<hbm>>, %arg4: memref<32x128xf32, #tpu.memory_space<hbm>>, %arg5: memref<4x128xi32, #tpu.memory_space<vmem>>, %arg6: memref<4x128x128xf32, #tpu.memory_space<vmem>>, %arg7: memref<128xf32, #tpu.memory_space<vmem>>, %arg8: memref<!tpu.dma_semaphore, #tpu.memory_space<semaphore_mem>>, %arg9: memref<!tpu.dma_semaphore, #tpu.memory_space<semaphore_mem>>) attributes {dimension_semantics = [#tpu.dimension_semantics<core_parallel>, #tpu.dimension_semantics<subcore_parallel>], iteration_bounds = array<i64: 2, 16>, scalar_prefetch = 0 : i64, scratch_operands = 5 : i64, tpu.core_type = #tpu.core_type<sc_vector_subcore>, window_params = [{transform_indices = #map}, {transform_indices = #map1}, {transform_indices = #map1}]} {
    %mul3A = arith.constant 2 : i32
    %mul3A_0 = arith.muli %arg1, %mul3A : i32
    %add3A = arith.addi %mul3A_0, %arg0 : i32
    "tpu.region"() ({
      %run_scoped3A = tpu.sem_alloc : memref<!tpu.dma_semaphore, #tpu.memory_space<semaphore_mem>>
      %dma_start3A_164 = arith.constant 0 : i32
      %dma_start3A_165 = arith.constant 0 : i32
      %dma_start3A_166 = tpu.memref_slice %arg2[%add3A, %dma_start3A_164, %dma_start3A_165] : memref<32x4x128xi32, #tpu.memory_space<hbm>> -> memref<1x4x128xi32, #tpu.memory_space<hbm>>
      %dma_start3A_167 = tpu.memref_squeeze %dma_start3A_166 : memref<1x4x128xi32, #tpu.memory_space<hbm>> -> memref<4x128xi32, #tpu.memory_space<hbm>>
      %dma_start3A_168 = arith.constant 0 : i32
      %dma_start3A_169 = arith.constant 0 : i32
      %dma_start3A_170 = tpu.memref_slice %arg2[%add3A, %dma_start3A_168, %dma_start3A_169] : memref<32x4x128xi32, #tpu.memory_space<hbm>> -> memref<1x4x128xi32, #tpu.memory_space<hbm>>
      %dma_start3A_171 = tpu.memref_squeeze %dma_start3A_170 : memref<1x4x128xi32, #tpu.memory_space<hbm>> -> memref<4x128xi32, #tpu.memory_space<hbm>>
      tpu.enqueue_dma source(%dma_start3A_171 : memref<4x128xi32, #tpu.memory_space<hbm>>) target(%arg5 : memref<4x128xi32, #tpu.memory_space<vmem>>) target_semaphore(%run_scoped3A : memref<!tpu.dma_semaphore, #tpu.memory_space<semaphore_mem>>)
      %dma_wait3A_172 = arith.constant 0 : i32
      %dma_wait3A_173 = arith.constant 0 : i32
      %dma_wait3A_174 = tpu.memref_slice %arg2[%add3A, %dma_wait3A_172, %dma_wait3A_173] : memref<32x4x128xi32, #tpu.memory_space<hbm>> -> memref<1x4x128xi32, #tpu.memory_space<hbm>>
      %dma_wait3A_175 = tpu.memref_squeeze %dma_wait3A_174 : memref<1x4x128xi32, #tpu.memory_space<hbm>> -> memref<4x128xi32, #tpu.memory_space<hbm>>
      %dma_wait3A_176 = arith.constant 0 : i32
      %dma_wait3A_177 = arith.constant 0 : i32
      %dma_wait3A_178 = tpu.memref_slice %arg2[%add3A, %dma_wait3A_176, %dma_wait3A_177] : memref<32x4x128xi32, #tpu.memory_space<hbm>> -> memref<1x4x128xi32, #tpu.memory_space<hbm>>
      %dma_wait3A_179 = tpu.memref_squeeze %dma_wait3A_178 : memref<1x4x128xi32, #tpu.memory_space<hbm>> -> memref<4x128xi32, #tpu.memory_space<hbm>>
      tpu.wait_dma2 semaphore(%run_scoped3A : memref<!tpu.dma_semaphore, #tpu.memory_space<semaphore_mem>>) src(%dma_wait3A_179 : memref<4x128xi32, #tpu.memory_space<hbm>>) dst(%arg5 : memref<4x128xi32, #tpu.memory_space<vmem>>)
      tpu.yield
    }) : () -> ()
    %dma_start3A = arith.constant 0 : i32
    %dma_start3A_1 = arith.constant 0 : i32
    %dma_start3A_2 = arith.constant 0 : i32
    %dma_start3A_3 = arith.constant 0 : i32
    %dma_start3A_4 = tpu.memref_slice %arg6[%dma_start3A_1, %dma_start3A_2, %dma_start3A_3] : memref<4x128x128xf32, #tpu.memory_space<vmem>> -> memref<1x128x128xf32, #tpu.memory_space<vmem>>
    %dma_start3A_5 = tpu.memref_squeeze %dma_start3A_4 : memref<1x128x128xf32, #tpu.memory_space<vmem>> -> memref<128x128xf32, #tpu.memory_space<vmem>>
    %dma_start3A_6 = arith.constant 0 : i32
    %dma_start3A_7 = tpu.memref_slice %arg5[%dma_start3A, %dma_start3A_6] : memref<4x128xi32, #tpu.memory_space<vmem>> -> memref<1x128xi32, #tpu.memory_space<vmem>>
    %dma_start3A_8 = tpu.memref_squeeze %dma_start3A_7 : memref<1x128xi32, #tpu.memory_space<vmem>> -> memref<128xi32, #tpu.memory_space<vmem>>
    %dma_start3A_9 = arith.constant 0 : i32
    %dma_start3A_10 = arith.constant 0 : i32
    %dma_start3A_11 = tpu.memref_slice %arg3[%dma_start3A_9, %dma_start3A_10] : memref<100000x128xf32, #tpu.memory_space<hbm>> -> memref<100000x128xf32, #tpu.memory_space<hbm>>
    tpu.enqueue_indirect_dma source(%dma_start3A_11 : memref<100000x128xf32, #tpu.memory_space<hbm>>) target(%dma_start3A_5 : memref<128x128xf32, #tpu.memory_space<vmem>>) offsets(%dma_start3A_8 : memref<128xi32, #tpu.memory_space<vmem>>) semaphore(%arg8 : memref<!tpu.dma_semaphore, #tpu.memory_space<semaphore_mem>>)
    %broadcast_in_dim3A = arith.constant 0.000000e+00 : f32
    %broadcast_in_dim3A_12 = vector.broadcast %broadcast_in_dim3A : f32 to vector<16xf32>
    %broadcast_in_dim3A_13 = arith.constant 0.000000e+00 : f32
    %broadcast_in_dim3A_14 = vector.broadcast %broadcast_in_dim3A_13 : f32 to vector<16xf32>
    %broadcast_in_dim3A_15 = arith.constant 0.000000e+00 : f32
    %broadcast_in_dim3A_16 = vector.broadcast %broadcast_in_dim3A_15 : f32 to vector<16xf32>
    %broadcast_in_dim3A_17 = arith.constant 0.000000e+00 : f32
    %broadcast_in_dim3A_18 = vector.broadcast %broadcast_in_dim3A_17 : f32 to vector<16xf32>
    %broadcast_in_dim3A_19 = arith.constant 0.000000e+00 : f32
    %broadcast_in_dim3A_20 = vector.broadcast %broadcast_in_dim3A_19 : f32 to vector<16xf32>
    %broadcast_in_dim3A_21 = arith.constant 0.000000e+00 : f32
    %broadcast_in_dim3A_22 = vector.broadcast %broadcast_in_dim3A_21 : f32 to vector<16xf32>
    %broadcast_in_dim3A_23 = arith.constant 0.000000e+00 : f32
    %broadcast_in_dim3A_24 = vector.broadcast %broadcast_in_dim3A_23 : f32 to vector<16xf32>
    %broadcast_in_dim3A_25 = arith.constant 0.000000e+00 : f32
    %broadcast_in_dim3A_26 = vector.broadcast %broadcast_in_dim3A_25 : f32 to vector<16xf32>
    %dma_start3A_27 = arith.constant 1 : i32
    %dma_start3A_28 = arith.constant 1 : i32
    %dma_start3A_29 = arith.constant 0 : i32
    %dma_start3A_30 = arith.constant 0 : i32
    %dma_start3A_31 = tpu.memref_slice %arg6[%dma_start3A_28, %dma_start3A_29, %dma_start3A_30] : memref<4x128x128xf32, #tpu.memory_space<vmem>> -> memref<1x128x128xf32, #tpu.memory_space<vmem>>
    %dma_start3A_32 = tpu.memref_squeeze %dma_start3A_31 : memref<1x128x128xf32, #tpu.memory_space<vmem>> -> memref<128x128xf32, #tpu.memory_space<vmem>>
    %dma_start3A_33 = arith.constant 0 : i32
    %dma_start3A_34 = tpu.memref_slice %arg5[%dma_start3A_27, %dma_start3A_33] : memref<4x128xi32, #tpu.memory_space<vmem>> -> memref<1x128xi32, #tpu.memory_space<vmem>>
    %dma_start3A_35 = tpu.memref_squeeze %dma_start3A_34 : memref<1x128xi32, #tpu.memory_space<vmem>> -> memref<128xi32, #tpu.memory_space<vmem>>
    %dma_start3A_36 = arith.constant 0 : i32
    %dma_start3A_37 = arith.constant 0 : i32
    %dma_start3A_38 = tpu.memref_slice %arg3[%dma_start3A_36, %dma_start3A_37] : memref<100000x128xf32, #tpu.memory_space<hbm>> -> memref<100000x128xf32, #tpu.memory_space<hbm>>
    tpu.enqueue_indirect_dma source(%dma_start3A_38 : memref<100000x128xf32, #tpu.memory_space<hbm>>) target(%dma_start3A_32 : memref<128x128xf32, #tpu.memory_space<vmem>>) offsets(%dma_start3A_35 : memref<128xi32, #tpu.memory_space<vmem>>) semaphore(%arg9 : memref<!tpu.dma_semaphore, #tpu.memory_space<semaphore_mem>>)
    %dma_wait3A = arith.constant 0 : i32
    %dma_wait3A_39 = arith.constant 0 : i32
    %dma_wait3A_40 = arith.constant 0 : i32
    %dma_wait3A_41 = arith.constant 0 : i32
    %dma_wait3A_42 = tpu.memref_slice %arg6[%dma_wait3A_39, %dma_wait3A_40, %dma_wait3A_41] : memref<4x128x128xf32, #tpu.memory_space<vmem>> -> memref<1x128x128xf32, #tpu.memory_space<vmem>>
    %dma_wait3A_43 = tpu.memref_squeeze %dma_wait3A_42 : memref<1x128x128xf32, #tpu.memory_space<vmem>> -> memref<128x128xf32, #tpu.memory_space<vmem>>
    %dma_wait3A_44 = arith.constant 0 : i32
    %dma_wait3A_45 = tpu.memref_slice %arg5[%dma_wait3A, %dma_wait3A_44] : memref<4x128xi32, #tpu.memory_space<vmem>> -> memref<1x128xi32, #tpu.memory_space<vmem>>
    %dma_wait3A_46 = tpu.memref_squeeze %dma_wait3A_45 : memref<1x128xi32, #tpu.memory_space<vmem>> -> memref<128xi32, #tpu.memory_space<vmem>>
    %dma_wait3A_47 = arith.constant 0 : i32
    %dma_wait3A_48 = arith.constant 0 : i32
    %dma_wait3A_49 = tpu.memref_slice %arg3[%dma_wait3A_47, %dma_wait3A_48] : memref<100000x128xf32, #tpu.memory_space<hbm>> -> memref<100000x128xf32, #tpu.memory_space<hbm>>
    tpu.wait_indirect_dma semaphore(%arg8 : memref<!tpu.dma_semaphore, #tpu.memory_space<semaphore_mem>>) src(%dma_wait3A_49 : memref<100000x128xf32, #tpu.memory_space<hbm>>) dst(%dma_wait3A_43 : memref<128x128xf32, #tpu.memory_space<vmem>>)
    %scan3A = arith.constant 0 : i32
    %scan3A_50 = arith.constant 128 : i32
    %scan3A_51 = arith.addi %scan3A, %scan3A_50 : i32
    %scan3A_52 = arith.constant 1 : i32
    %scan3A_53:8 = scf.for %scan3A_164 = %scan3A to %scan3A_51 step %scan3A_52 iter_args(%scan3A_165 = %broadcast_in_dim3A_12, %scan3A_166 = %broadcast_in_dim3A_14, %scan3A_167 = %broadcast_in_dim3A_16, %scan3A_168 = %broadcast_in_dim3A_18, %scan3A_169 = %broadcast_in_dim3A_20, %scan3A_170 = %broadcast_in_dim3A_22, %scan3A_171 = %broadcast_in_dim3A_24, %scan3A_172 = %broadcast_in_dim3A_26) -> (vector<16xf32>, vector<16xf32>, vector<16xf32>, vector<16xf32>, vector<16xf32>, vector<16xf32>, vector<16xf32>, vector<16xf32>)  : i32 {
      %get3A = arith.constant 0 : i32
      %get3A_173 = arith.index_cast %get3A : i32 to index
      %get3A_174 = arith.index_cast %scan3A_164 : i32 to index
      %get3A_175 = arith.constant 0 : index
      %get3A_176 = tpu.vector_load %arg6[%get3A_173, %get3A_174, %get3A_175] {strides = array<i32>} : memref<4x128x128xf32, #tpu.memory_space<vmem>>, vector<1x1x16xf32>,
      %get3A_177 = vector.shape_cast %get3A_176 : vector<1x1x16xf32> to vector<16xf32>
      %add3A_178 = arith.addf %scan3A_165, %get3A_177 : vector<16xf32>
      %get3A_179 = arith.constant 0 : i32
      %get3A_180 = arith.index_cast %get3A_179 : i32 to index
      %get3A_181 = arith.index_cast %scan3A_164 : i32 to index
      %get3A_182 = arith.constant 16 : index
      %get3A_183 = tpu.vector_load %arg6[%get3A_180, %get3A_181, %get3A_182] {strides = array<i32>} : memref<4x128x128xf32, #tpu.memory_space<vmem>>, vector<1x1x16xf32>,
      %get3A_184 = vector.shape_cast %get3A_183 : vector<1x1x16xf32> to vector<16xf32>
      %add3A_185 = arith.addf %scan3A_166, %get3A_184 : vector<16xf32>
      %get3A_186 = arith.constant 0 : i32
      %get3A_187 = arith.index_cast %get3A_186 : i32 to index
      %get3A_188 = arith.index_cast %scan3A_164 : i32 to index
      %get3A_189 = arith.constant 32 : index
      %get3A_190 = tpu.vector_load %arg6[%get3A_187, %get3A_188, %get3A_189] {strides = array<i32>} : memref<4x128x128xf32, #tpu.memory_space<vmem>>, vector<1x1x16xf32>,
      %get3A_191 = vector.shape_cast %get3A_190 : vector<1x1x16xf32> to vector<16xf32>
      %add3A_192 = arith.addf %scan3A_167, %get3A_191 : vector<16xf32>
      %get3A_193 = arith.constant 0 : i32
      %get3A_194 = arith.index_cast %get3A_193 : i32 to index
      %get3A_195 = arith.index_cast %scan3A_164 : i32 to index
      %get3A_196 = arith.constant 48 : index
      %get3A_197 = tpu.vector_load %arg6[%get3A_194, %get3A_195, %get3A_196] {strides = array<i32>} : memref<4x128x128xf32, #tpu.memory_space<vmem>>, vector<1x1x16xf32>,
      %get3A_198 = vector.shape_cast %get3A_197 : vector<1x1x16xf32> to vector<16xf32>
      %add3A_199 = arith.addf %scan3A_168, %get3A_198 : vector<16xf32>
      %get3A_200 = arith.constant 0 : i32
      %get3A_201 = arith.index_cast %get3A_200 : i32 to index
      %get3A_202 = arith.index_cast %scan3A_164 : i32 to index
      %get3A_203 = arith.constant 64 : index
      %get3A_204 = tpu.vector_load %arg6[%get3A_201, %get3A_202, %get3A_203] {strides = array<i32>} : memref<4x128x128xf32, #tpu.memory_space<vmem>>, vector<1x1x16xf32>,
      %get3A_205 = vector.shape_cast %get3A_204 : vector<1x1x16xf32> to vector<16xf32>
      %add3A_206 = arith.addf %scan3A_169, %get3A_205 : vector<16xf32>
      %get3A_207 = arith.constant 0 : i32
      %get3A_208 = arith.index_cast %get3A_207 : i32 to index
      %get3A_209 = arith.index_cast %scan3A_164 : i32 to index
      %get3A_210 = arith.constant 80 : index
      %get3A_211 = tpu.vector_load %arg6[%get3A_208, %get3A_209, %get3A_210] {strides = array<i32>} : memref<4x128x128xf32, #tpu.memory_space<vmem>>, vector<1x1x16xf32>,
      %get3A_212 = vector.shape_cast %get3A_211 : vector<1x1x16xf32> to vector<16xf32>
      %add3A_213 = arith.addf %scan3A_170, %get3A_212 : vector<16xf32>
      %get3A_214 = arith.constant 0 : i32
      %get3A_215 = arith.index_cast %get3A_214 : i32 to index
      %get3A_216 = arith.index_cast %scan3A_164 : i32 to index
      %get3A_217 = arith.constant 96 : index
      %get3A_218 = tpu.vector_load %arg6[%get3A_215, %get3A_216, %get3A_217] {strides = array<i32>} : memref<4x128x128xf32, #tpu.memory_space<vmem>>, vector<1x1x16xf32>,
      %get3A_219 = vector.shape_cast %get3A_218 : vector<1x1x16xf32> to vector<16xf32>
      %add3A_220 = arith.addf %scan3A_171, %get3A_219 : vector<16xf32>
      %get3A_221 = arith.constant 0 : i32
      %get3A_222 = arith.index_cast %get3A_221 : i32 to index
      %get3A_223 = arith.index_cast %scan3A_164 : i32 to index
      %get3A_224 = arith.constant 112 : index
      %get3A_225 = tpu.vector_load %arg6[%get3A_222, %get3A_223, %get3A_224] {strides = array<i32>} : memref<4x128x128xf32, #tpu.memory_space<vmem>>, vector<1x1x16xf32>,
      %get3A_226 = vector.shape_cast %get3A_225 : vector<1x1x16xf32> to vector<16xf32>
      %add3A_227 = arith.addf %scan3A_172, %get3A_226 : vector<16xf32>
      scf.yield %add3A_178, %add3A_185, %add3A_192, %add3A_199, %add3A_206, %add3A_213, %add3A_220, %add3A_227 : vector<16xf32>, vector<16xf32>, vector<16xf32>, vector<16xf32>, vector<16xf32>, vector<16xf32>, vector<16xf32>, vector<16xf32>
    }
    %scan3A_54 = arith.constant 128 : i32
    %dma_start3A_55 = arith.constant 2 : i32
    %dma_start3A_56 = arith.constant 2 : i32
    %dma_start3A_57 = arith.constant 0 : i32
    %dma_start3A_58 = arith.constant 0 : i32
    %dma_start3A_59 = tpu.memref_slice %arg6[%dma_start3A_56, %dma_start3A_57, %dma_start3A_58] : memref<4x128x128xf32, #tpu.memory_space<vmem>> -> memref<1x128x128xf32, #tpu.memory_space<vmem>>
    %dma_start3A_60 = tpu.memref_squeeze %dma_start3A_59 : memref<1x128x128xf32, #tpu.memory_space<vmem>> -> memref<128x128xf32, #tpu.memory_space<vmem>>
    %dma_start3A_61 = arith.constant 0 : i32
    %dma_start3A_62 = tpu.memref_slice %arg5[%dma_start3A_55, %dma_start3A_61] : memref<4x128xi32, #tpu.memory_space<vmem>> -> memref<1x128xi32, #tpu.memory_space<vmem>>
    %dma_start3A_63 = tpu.memref_squeeze %dma_start3A_62 : memref<1x128xi32, #tpu.memory_space<vmem>> -> memref<128xi32, #tpu.memory_space<vmem>>
    %dma_start3A_64 = arith.constant 0 : i32
    %dma_start3A_65 = arith.constant 0 : i32
    %dma_start3A_66 = tpu.memref_slice %arg3[%dma_start3A_64, %dma_start3A_65] : memref<100000x128xf32, #tpu.memory_space<hbm>> -> memref<100000x128xf32, #tpu.memory_space<hbm>>
    tpu.enqueue_indirect_dma source(%dma_start3A_66 : memref<100000x128xf32, #tpu.memory_space<hbm>>) target(%dma_start3A_60 : memref<128x128xf32, #tpu.memory_space<vmem>>) offsets(%dma_start3A_63 : memref<128xi32, #tpu.memory_space<vmem>>) semaphore(%arg8 : memref<!tpu.dma_semaphore, #tpu.memory_space<semaphore_mem>>)
    %dma_wait3A_67 = arith.constant 1 : i32
    %dma_wait3A_68 = arith.constant 1 : i32
    %dma_wait3A_69 = arith.constant 0 : i32
    %dma_wait3A_70 = arith.constant 0 : i32
    %dma_wait3A_71 = tpu.memref_slice %arg6[%dma_wait3A_68, %dma_wait3A_69, %dma_wait3A_70] : memref<4x128x128xf32, #tpu.memory_space<vmem>> -> memref<1x128x128xf32, #tpu.memory_space<vmem>>
    %dma_wait3A_72 = tpu.memref_squeeze %dma_wait3A_71 : memref<1x128x128xf32, #tpu.memory_space<vmem>> -> memref<128x128xf32, #tpu.memory_space<vmem>>
    %dma_wait3A_73 = arith.constant 0 : i32
    %dma_wait3A_74 = tpu.memref_slice %arg5[%dma_wait3A_67, %dma_wait3A_73] : memref<4x128xi32, #tpu.memory_space<vmem>> -> memref<1x128xi32, #tpu.memory_space<vmem>>
    %dma_wait3A_75 = tpu.memref_squeeze %dma_wait3A_74 : memref<1x128xi32, #tpu.memory_space<vmem>> -> memref<128xi32, #tpu.memory_space<vmem>>
    %dma_wait3A_76 = arith.constant 0 : i32
    %dma_wait3A_77 = arith.constant 0 : i32
    %dma_wait3A_78 = tpu.memref_slice %arg3[%dma_wait3A_76, %dma_wait3A_77] : memref<100000x128xf32, #tpu.memory_space<hbm>> -> memref<100000x128xf32, #tpu.memory_space<hbm>>
    tpu.wait_indirect_dma semaphore(%arg9 : memref<!tpu.dma_semaphore, #tpu.memory_space<semaphore_mem>>) src(%dma_wait3A_78 : memref<100000x128xf32, #tpu.memory_space<hbm>>) dst(%dma_wait3A_72 : memref<128x128xf32, #tpu.memory_space<vmem>>)
    %scan3A_79 = arith.constant 0 : i32
    %scan3A_80 = arith.constant 128 : i32
    %scan3A_81 = arith.addi %scan3A_79, %scan3A_80 : i32
    %scan3A_82 = arith.constant 1 : i32
    %scan3A_83:8 = scf.for %scan3A_164 = %scan3A_79 to %scan3A_81 step %scan3A_82 iter_args(%scan3A_165 = %scan3A_53#0, %scan3A_166 = %scan3A_53#1, %scan3A_167 = %scan3A_53#2, %scan3A_168 = %scan3A_53#3, %scan3A_169 = %scan3A_53#4, %scan3A_170 = %scan3A_53#5, %scan3A_171 = %scan3A_53#6, %scan3A_172 = %scan3A_53#7) -> (vector<16xf32>, vector<16xf32>, vector<16xf32>, vector<16xf32>, vector<16xf32>, vector<16xf32>, vector<16xf32>, vector<16xf32>)  : i32 {
      %get3A = arith.constant 1 : i32
      %get3A_173 = arith.index_cast %get3A : i32 to index
      %get3A_174 = arith.index_cast %scan3A_164 : i32 to index
      %get3A_175 = arith.constant 0 : index
      %get3A_176 = tpu.vector_load %arg6[%get3A_173, %get3A_174, %get3A_175] {strides = array<i32>} : memref<4x128x128xf32, #tpu.memory_space<vmem>>, vector<1x1x16xf32>,
      %get3A_177 = vector.shape_cast %get3A_176 : vector<1x1x16xf32> to vector<16xf32>
      %add3A_178 = arith.addf %scan3A_165, %get3A_177 : vector<16xf32>
      %get3A_179 = arith.constant 1 : i32
      %get3A_180 = arith.index_cast %get3A_179 : i32 to index
      %get3A_181 = arith.index_cast %scan3A_164 : i32 to index
      %get3A_182 = arith.constant 16 : index
      %get3A_183 = tpu.vector_load %arg6[%get3A_180, %get3A_181, %get3A_182] {strides = array<i32>} : memref<4x128x128xf32, #tpu.memory_space<vmem>>, vector<1x1x16xf32>,
      %get3A_184 = vector.shape_cast %get3A_183 : vector<1x1x16xf32> to vector<16xf32>
      %add3A_185 = arith.addf %scan3A_166, %get3A_184 : vector<16xf32>
      %get3A_186 = arith.constant 1 : i32
      %get3A_187 = arith.index_cast %get3A_186 : i32 to index
      %get3A_188 = arith.index_cast %scan3A_164 : i32 to index
      %get3A_189 = arith.constant 32 : index
      %get3A_190 = tpu.vector_load %arg6[%get3A_187, %get3A_188, %get3A_189] {strides = array<i32>} : memref<4x128x128xf32, #tpu.memory_space<vmem>>, vector<1x1x16xf32>,
      %get3A_191 = vector.shape_cast %get3A_190 : vector<1x1x16xf32> to vector<16xf32>
      %add3A_192 = arith.addf %scan3A_167, %get3A_191 : vector<16xf32>
      %get3A_193 = arith.constant 1 : i32
      %get3A_194 = arith.index_cast %get3A_193 : i32 to index
      %get3A_195 = arith.index_cast %scan3A_164 : i32 to index
      %get3A_196 = arith.constant 48 : index
      %get3A_197 = tpu.vector_load %arg6[%get3A_194, %get3A_195, %get3A_196] {strides = array<i32>} : memref<4x128x128xf32, #tpu.memory_space<vmem>>, vector<1x1x16xf32>,
      %get3A_198 = vector.shape_cast %get3A_197 : vector<1x1x16xf32> to vector<16xf32>
      %add3A_199 = arith.addf %scan3A_168, %get3A_198 : vector<16xf32>
      %get3A_200 = arith.constant 1 : i32
      %get3A_201 = arith.index_cast %get3A_200 : i32 to index
      %get3A_202 = arith.index_cast %scan3A_164 : i32 to index
      %get3A_203 = arith.constant 64 : index
      %get3A_204 = tpu.vector_load %arg6[%get3A_201, %get3A_202, %get3A_203] {strides = array<i32>} : memref<4x128x128xf32, #tpu.memory_space<vmem>>, vector<1x1x16xf32>,
      %get3A_205 = vector.shape_cast %get3A_204 : vector<1x1x16xf32> to vector<16xf32>
      %add3A_206 = arith.addf %scan3A_169, %get3A_205 : vector<16xf32>
      %get3A_207 = arith.constant 1 : i32
      %get3A_208 = arith.index_cast %get3A_207 : i32 to index
      %get3A_209 = arith.index_cast %scan3A_164 : i32 to index
      %get3A_210 = arith.constant 80 : index
      %get3A_211 = tpu.vector_load %arg6[%get3A_208, %get3A_209, %get3A_210] {strides = array<i32>} : memref<4x128x128xf32, #tpu.memory_space<vmem>>, vector<1x1x16xf32>,
      %get3A_212 = vector.shape_cast %get3A_211 : vector<1x1x16xf32> to vector<16xf32>
      %add3A_213 = arith.addf %scan3A_170, %get3A_212 : vector<16xf32>
      %get3A_214 = arith.constant 1 : i32
      %get3A_215 = arith.index_cast %get3A_214 : i32 to index
      %get3A_216 = arith.index_cast %scan3A_164 : i32 to index
      %get3A_217 = arith.constant 96 : index
      %get3A_218 = tpu.vector_load %arg6[%get3A_215, %get3A_216, %get3A_217] {strides = array<i32>} : memref<4x128x128xf32, #tpu.memory_space<vmem>>, vector<1x1x16xf32>,
      %get3A_219 = vector.shape_cast %get3A_218 : vector<1x1x16xf32> to vector<16xf32>
      %add3A_220 = arith.addf %scan3A_171, %get3A_219 : vector<16xf32>
      %get3A_221 = arith.constant 1 : i32
      %get3A_222 = arith.index_cast %get3A_221 : i32 to index
      %get3A_223 = arith.index_cast %scan3A_164 : i32 to index
      %get3A_224 = arith.constant 112 : index
      %get3A_225 = tpu.vector_load %arg6[%get3A_222, %get3A_223, %get3A_224] {strides = array<i32>} : memref<4x128x128xf32, #tpu.memory_space<vmem>>, vector<1x1x16xf32>,
      %get3A_226 = vector.shape_cast %get3A_225 : vector<1x1x16xf32> to vector<16xf32>
      %add3A_227 = arith.addf %scan3A_172, %get3A_226 : vector<16xf32>
      scf.yield %add3A_178, %add3A_185, %add3A_192, %add3A_199, %add3A_206, %add3A_213, %add3A_220, %add3A_227 : vector<16xf32>, vector<16xf32>, vector<16xf32>, vector<16xf32>, vector<16xf32>, vector<16xf32>, vector<16xf32>, vector<16xf32>
    }
    %scan3A_84 = arith.constant 128 : i32
    %dma_start3A_85 = arith.constant 3 : i32
    %dma_start3A_86 = arith.constant 3 : i32
    %dma_start3A_87 = arith.constant 0 : i32
    %dma_start3A_88 = arith.constant 0 : i32
    %dma_start3A_89 = tpu.memref_slice %arg6[%dma_start3A_86, %dma_start3A_87, %dma_start3A_88] : memref<4x128x128xf32, #tpu.memory_space<vmem>> -> memref<1x128x128xf32, #tpu.memory_space<vmem>>
    %dma_start3A_90 = tpu.memref_squeeze %dma_start3A_89 : memref<1x128x128xf32, #tpu.memory_space<vmem>> -> memref<128x128xf32, #tpu.memory_space<vmem>>
    %dma_start3A_91 = arith.constant 0 : i32
    %dma_start3A_92 = tpu.memref_slice %arg5[%dma_start3A_85, %dma_start3A_91] : memref<4x128xi32, #tpu.memory_space<vmem>> -> memref<1x128xi32, #tpu.memory_space<vmem>>
    %dma_start3A_93 = tpu.memref_squeeze %dma_start3A_92 : memref<1x128xi32, #tpu.memory_space<vmem>> -> memref<128xi32, #tpu.memory_space<vmem>>
    %dma_start3A_94 = arith.constant 0 : i32
    %dma_start3A_95 = arith.constant 0 : i32
    %dma_start3A_96 = tpu.memref_slice %arg3[%dma_start3A_94, %dma_start3A_95] : memref<100000x128xf32, #tpu.memory_space<hbm>> -> memref<100000x128xf32, #tpu.memory_space<hbm>>
    tpu.enqueue_indirect_dma source(%dma_start3A_96 : memref<100000x128xf32, #tpu.memory_space<hbm>>) target(%dma_start3A_90 : memref<128x128xf32, #tpu.memory_space<vmem>>) offsets(%dma_start3A_93 : memref<128xi32, #tpu.memory_space<vmem>>) semaphore(%arg9 : memref<!tpu.dma_semaphore, #tpu.memory_space<semaphore_mem>>)
    %dma_wait3A_97 = arith.constant 2 : i32
    %dma_wait3A_98 = arith.constant 2 : i32
    %dma_wait3A_99 = arith.constant 0 : i32
    %dma_wait3A_100 = arith.constant 0 : i32
    %dma_wait3A_101 = tpu.memref_slice %arg6[%dma_wait3A_98, %dma_wait3A_99, %dma_wait3A_100] : memref<4x128x128xf32, #tpu.memory_space<vmem>> -> memref<1x128x128xf32, #tpu.memory_space<vmem>>
    %dma_wait3A_102 = tpu.memref_squeeze %dma_wait3A_101 : memref<1x128x128xf32, #tpu.memory_space<vmem>> -> memref<128x128xf32, #tpu.memory_space<vmem>>
    %dma_wait3A_103 = arith.constant 0 : i32
    %dma_wait3A_104 = tpu.memref_slice %arg5[%dma_wait3A_97, %dma_wait3A_103] : memref<4x128xi32, #tpu.memory_space<vmem>> -> memref<1x128xi32, #tpu.memory_space<vmem>>
    %dma_wait3A_105 = tpu.memref_squeeze %dma_wait3A_104 : memref<1x128xi32, #tpu.memory_space<vmem>> -> memref<128xi32, #tpu.memory_space<vmem>>
    %dma_wait3A_106 = arith.constant 0 : i32
    %dma_wait3A_107 = arith.constant 0 : i32
    %dma_wait3A_108 = tpu.memref_slice %arg3[%dma_wait3A_106, %dma_wait3A_107] : memref<100000x128xf32, #tpu.memory_space<hbm>> -> memref<100000x128xf32, #tpu.memory_space<hbm>>
    tpu.wait_indirect_dma semaphore(%arg8 : memref<!tpu.dma_semaphore, #tpu.memory_space<semaphore_mem>>) src(%dma_wait3A_108 : memref<100000x128xf32, #tpu.memory_space<hbm>>) dst(%dma_wait3A_102 : memref<128x128xf32, #tpu.memory_space<vmem>>)
    %scan3A_109 = arith.constant 0 : i32
    %scan3A_110 = arith.constant 128 : i32
    %scan3A_111 = arith.addi %scan3A_109, %scan3A_110 : i32
    %scan3A_112 = arith.constant 1 : i32
    %scan3A_113:8 = scf.for %scan3A_164 = %scan3A_109 to %scan3A_111 step %scan3A_112 iter_args(%scan3A_165 = %scan3A_83#0, %scan3A_166 = %scan3A_83#1, %scan3A_167 = %scan3A_83#2, %scan3A_168 = %scan3A_83#3, %scan3A_169 = %scan3A_83#4, %scan3A_170 = %scan3A_83#5, %scan3A_171 = %scan3A_83#6, %scan3A_172 = %scan3A_83#7) -> (vector<16xf32>, vector<16xf32>, vector<16xf32>, vector<16xf32>, vector<16xf32>, vector<16xf32>, vector<16xf32>, vector<16xf32>)  : i32 {
      %get3A = arith.constant 2 : i32
      %get3A_173 = arith.index_cast %get3A : i32 to index
      %get3A_174 = arith.index_cast %scan3A_164 : i32 to index
      %get3A_175 = arith.constant 0 : index
      %get3A_176 = tpu.vector_load %arg6[%get3A_173, %get3A_174, %get3A_175] {strides = array<i32>} : memref<4x128x128xf32, #tpu.memory_space<vmem>>, vector<1x1x16xf32>,
      %get3A_177 = vector.shape_cast %get3A_176 : vector<1x1x16xf32> to vector<16xf32>
      %add3A_178 = arith.addf %scan3A_165, %get3A_177 : vector<16xf32>
      %get3A_179 = arith.constant 2 : i32
      %get3A_180 = arith.index_cast %get3A_179 : i32 to index
      %get3A_181 = arith.index_cast %scan3A_164 : i32 to index
      %get3A_182 = arith.constant 16 : index
      %get3A_183 = tpu.vector_load %arg6[%get3A_180, %get3A_181, %get3A_182] {strides = array<i32>} : memref<4x128x128xf32, #tpu.memory_space<vmem>>, vector<1x1x16xf32>,
      %get3A_184 = vector.shape_cast %get3A_183 : vector<1x1x16xf32> to vector<16xf32>
      %add3A_185 = arith.addf %scan3A_166, %get3A_184 : vector<16xf32>
      %get3A_186 = arith.constant 2 : i32
      %get3A_187 = arith.index_cast %get3A_186 : i32 to index
      %get3A_188 = arith.index_cast %scan3A_164 : i32 to index
      %get3A_189 = arith.constant 32 : index
      %get3A_190 = tpu.vector_load %arg6[%get3A_187, %get3A_188, %get3A_189] {strides = array<i32>} : memref<4x128x128xf32, #tpu.memory_space<vmem>>, vector<1x1x16xf32>,
      %get3A_191 = vector.shape_cast %get3A_190 : vector<1x1x16xf32> to vector<16xf32>
      %add3A_192 = arith.addf %scan3A_167, %get3A_191 : vector<16xf32>
      %get3A_193 = arith.constant 2 : i32
      %get3A_194 = arith.index_cast %get3A_193 : i32 to index
      %get3A_195 = arith.index_cast %scan3A_164 : i32 to index
      %get3A_196 = arith.constant 48 : index
      %get3A_197 = tpu.vector_load %arg6[%get3A_194, %get3A_195, %get3A_196] {strides = array<i32>} : memref<4x128x128xf32, #tpu.memory_space<vmem>>, vector<1x1x16xf32>,
      %get3A_198 = vector.shape_cast %get3A_197 : vector<1x1x16xf32> to vector<16xf32>
      %add3A_199 = arith.addf %scan3A_168, %get3A_198 : vector<16xf32>
      %get3A_200 = arith.constant 2 : i32
      %get3A_201 = arith.index_cast %get3A_200 : i32 to index
      %get3A_202 = arith.index_cast %scan3A_164 : i32 to index
      %get3A_203 = arith.constant 64 : index
      %get3A_204 = tpu.vector_load %arg6[%get3A_201, %get3A_202, %get3A_203] {strides = array<i32>} : memref<4x128x128xf32, #tpu.memory_space<vmem>>, vector<1x1x16xf32>,
      %get3A_205 = vector.shape_cast %get3A_204 : vector<1x1x16xf32> to vector<16xf32>
      %add3A_206 = arith.addf %scan3A_169, %get3A_205 : vector<16xf32>
      %get3A_207 = arith.constant 2 : i32
      %get3A_208 = arith.index_cast %get3A_207 : i32 to index
      %get3A_209 = arith.index_cast %scan3A_164 : i32 to index
      %get3A_210 = arith.constant 80 : index
      %get3A_211 = tpu.vector_load %arg6[%get3A_208, %get3A_209, %get3A_210] {strides = array<i32>} : memref<4x128x128xf32, #tpu.memory_space<vmem>>, vector<1x1x16xf32>,
      %get3A_212 = vector.shape_cast %get3A_211 : vector<1x1x16xf32> to vector<16xf32>
      %add3A_213 = arith.addf %scan3A_170, %get3A_212 : vector<16xf32>
      %get3A_214 = arith.constant 2 : i32
      %get3A_215 = arith.index_cast %get3A_214 : i32 to index
      %get3A_216 = arith.index_cast %scan3A_164 : i32 to index
      %get3A_217 = arith.constant 96 : index
      %get3A_218 = tpu.vector_load %arg6[%get3A_215, %get3A_216, %get3A_217] {strides = array<i32>} : memref<4x128x128xf32, #tpu.memory_space<vmem>>, vector<1x1x16xf32>,
      %get3A_219 = vector.shape_cast %get3A_218 : vector<1x1x16xf32> to vector<16xf32>
      %add3A_220 = arith.addf %scan3A_171, %get3A_219 : vector<16xf32>
      %get3A_221 = arith.constant 2 : i32
      %get3A_222 = arith.index_cast %get3A_221 : i32 to index
      %get3A_223 = arith.index_cast %scan3A_164 : i32 to index
      %get3A_224 = arith.constant 112 : index
      %get3A_225 = tpu.vector_load %arg6[%get3A_222, %get3A_223, %get3A_224] {strides = array<i32>} : memref<4x128x128xf32, #tpu.memory_space<vmem>>, vector<1x1x16xf32>,
      %get3A_226 = vector.shape_cast %get3A_225 : vector<1x1x16xf32> to vector<16xf32>
      %add3A_227 = arith.addf %scan3A_172, %get3A_226 : vector<16xf32>
      scf.yield %add3A_178, %add3A_185, %add3A_192, %add3A_199, %add3A_206, %add3A_213, %add3A_220, %add3A_227 : vector<16xf32>, vector<16xf32>, vector<16xf32>, vector<16xf32>, vector<16xf32>, vector<16xf32>, vector<16xf32>, vector<16xf32>
    }
    %scan3A_114 = arith.constant 128 : i32
    %dma_wait3A_115 = arith.constant 3 : i32
    %dma_wait3A_116 = arith.constant 3 : i32
    %dma_wait3A_117 = arith.constant 0 : i32
    %dma_wait3A_118 = arith.constant 0 : i32
    %dma_wait3A_119 = tpu.memref_slice %arg6[%dma_wait3A_116, %dma_wait3A_117, %dma_wait3A_118] : memref<4x128x128xf32, #tpu.memory_space<vmem>> -> memref<1x128x128xf32, #tpu.memory_space<vmem>>
    %dma_wait3A_120 = tpu.memref_squeeze %dma_wait3A_119 : memref<1x128x128xf32, #tpu.memory_space<vmem>> -> memref<128x128xf32, #tpu.memory_space<vmem>>
    %dma_wait3A_121 = arith.constant 0 : i32
    %dma_wait3A_122 = tpu.memref_slice %arg5[%dma_wait3A_115, %dma_wait3A_121] : memref<4x128xi32, #tpu.memory_space<vmem>> -> memref<1x128xi32, #tpu.memory_space<vmem>>
    %dma_wait3A_123 = tpu.memref_squeeze %dma_wait3A_122 : memref<1x128xi32, #tpu.memory_space<vmem>> -> memref<128xi32, #tpu.memory_space<vmem>>
    %dma_wait3A_124 = arith.constant 0 : i32
    %dma_wait3A_125 = arith.constant 0 : i32
    %dma_wait3A_126 = tpu.memref_slice %arg3[%dma_wait3A_124, %dma_wait3A_125] : memref<100000x128xf32, #tpu.memory_space<hbm>> -> memref<100000x128xf32, #tpu.memory_space<hbm>>
    tpu.wait_indirect_dma semaphore(%arg9 : memref<!tpu.dma_semaphore, #tpu.memory_space<semaphore_mem>>) src(%dma_wait3A_126 : memref<100000x128xf32, #tpu.memory_space<hbm>>) dst(%dma_wait3A_120 : memref<128x128xf32, #tpu.memory_space<vmem>>)
    %scan3A_127 = arith.constant 0 : i32
    %scan3A_128 = arith.constant 128 : i32
    %scan3A_129 = arith.addi %scan3A_127, %scan3A_128 : i32
    %scan3A_130 = arith.constant 1 : i32
    %scan3A_131:8 = scf.for %scan3A_164 = %scan3A_127 to %scan3A_129 step %scan3A_130 iter_args(%scan3A_165 = %scan3A_113#0, %scan3A_166 = %scan3A_113#1, %scan3A_167 = %scan3A_113#2, %scan3A_168 = %scan3A_113#3, %scan3A_169 = %scan3A_113#4, %scan3A_170 = %scan3A_113#5, %scan3A_171 = %scan3A_113#6, %scan3A_172 = %scan3A_113#7) -> (vector<16xf32>, vector<16xf32>, vector<16xf32>, vector<16xf32>, vector<16xf32>, vector<16xf32>, vector<16xf32>, vector<16xf32>)  : i32 {
      %get3A = arith.constant 3 : i32
      %get3A_173 = arith.index_cast %get3A : i32 to index
      %get3A_174 = arith.index_cast %scan3A_164 : i32 to index
      %get3A_175 = arith.constant 0 : index
      %get3A_176 = tpu.vector_load %arg6[%get3A_173, %get3A_174, %get3A_175] {strides = array<i32>} : memref<4x128x128xf32, #tpu.memory_space<vmem>>, vector<1x1x16xf32>,
      %get3A_177 = vector.shape_cast %get3A_176 : vector<1x1x16xf32> to vector<16xf32>
      %add3A_178 = arith.addf %scan3A_165, %get3A_177 : vector<16xf32>
      %get3A_179 = arith.constant 3 : i32
      %get3A_180 = arith.index_cast %get3A_179 : i32 to index
      %get3A_181 = arith.index_cast %scan3A_164 : i32 to index
      %get3A_182 = arith.constant 16 : index
      %get3A_183 = tpu.vector_load %arg6[%get3A_180, %get3A_181, %get3A_182] {strides = array<i32>} : memref<4x128x128xf32, #tpu.memory_space<vmem>>, vector<1x1x16xf32>,
      %get3A_184 = vector.shape_cast %get3A_183 : vector<1x1x16xf32> to vector<16xf32>
      %add3A_185 = arith.addf %scan3A_166, %get3A_184 : vector<16xf32>
      %get3A_186 = arith.constant 3 : i32
      %get3A_187 = arith.index_cast %get3A_186 : i32 to index
      %get3A_188 = arith.index_cast %scan3A_164 : i32 to index
      %get3A_189 = arith.constant 32 : index
      %get3A_190 = tpu.vector_load %arg6[%get3A_187, %get3A_188, %get3A_189] {strides = array<i32>} : memref<4x128x128xf32, #tpu.memory_space<vmem>>, vector<1x1x16xf32>,
      %get3A_191 = vector.shape_cast %get3A_190 : vector<1x1x16xf32> to vector<16xf32>
      %add3A_192 = arith.addf %scan3A_167, %get3A_191 : vector<16xf32>
      %get3A_193 = arith.constant 3 : i32
      %get3A_194 = arith.index_cast %get3A_193 : i32 to index
      %get3A_195 = arith.index_cast %scan3A_164 : i32 to index
      %get3A_196 = arith.constant 48 : index
      %get3A_197 = tpu.vector_load %arg6[%get3A_194, %get3A_195, %get3A_196] {strides = array<i32>} : memref<4x128x128xf32, #tpu.memory_space<vmem>>, vector<1x1x16xf32>,
      %get3A_198 = vector.shape_cast %get3A_197 : vector<1x1x16xf32> to vector<16xf32>
      %add3A_199 = arith.addf %scan3A_168, %get3A_198 : vector<16xf32>
      %get3A_200 = arith.constant 3 : i32
      %get3A_201 = arith.index_cast %get3A_200 : i32 to index
      %get3A_202 = arith.index_cast %scan3A_164 : i32 to index
      %get3A_203 = arith.constant 64 : index
      %get3A_204 = tpu.vector_load %arg6[%get3A_201, %get3A_202, %get3A_203] {strides = array<i32>} : memref<4x128x128xf32, #tpu.memory_space<vmem>>, vector<1x1x16xf32>,
      %get3A_205 = vector.shape_cast %get3A_204 : vector<1x1x16xf32> to vector<16xf32>
      %add3A_206 = arith.addf %scan3A_169, %get3A_205 : vector<16xf32>
      %get3A_207 = arith.constant 3 : i32
      %get3A_208 = arith.index_cast %get3A_207 : i32 to index
      %get3A_209 = arith.index_cast %scan3A_164 : i32 to index
      %get3A_210 = arith.constant 80 : index
      %get3A_211 = tpu.vector_load %arg6[%get3A_208, %get3A_209, %get3A_210] {strides = array<i32>} : memref<4x128x128xf32, #tpu.memory_space<vmem>>, vector<1x1x16xf32>,
      %get3A_212 = vector.shape_cast %get3A_211 : vector<1x1x16xf32> to vector<16xf32>
      %add3A_213 = arith.addf %scan3A_170, %get3A_212 : vector<16xf32>
      %get3A_214 = arith.constant 3 : i32
      %get3A_215 = arith.index_cast %get3A_214 : i32 to index
      %get3A_216 = arith.index_cast %scan3A_164 : i32 to index
      %get3A_217 = arith.constant 96 : index
      %get3A_218 = tpu.vector_load %arg6[%get3A_215, %get3A_216, %get3A_217] {strides = array<i32>} : memref<4x128x128xf32, #tpu.memory_space<vmem>>, vector<1x1x16xf32>,
      %get3A_219 = vector.shape_cast %get3A_218 : vector<1x1x16xf32> to vector<16xf32>
      %add3A_220 = arith.addf %scan3A_171, %get3A_219 : vector<16xf32>
      %get3A_221 = arith.constant 3 : i32
      %get3A_222 = arith.index_cast %get3A_221 : i32 to index
      %get3A_223 = arith.index_cast %scan3A_164 : i32 to index
      %get3A_224 = arith.constant 112 : index
      %get3A_225 = tpu.vector_load %arg6[%get3A_222, %get3A_223, %get3A_224] {strides = array<i32>} : memref<4x128x128xf32, #tpu.memory_space<vmem>>, vector<1x1x16xf32>,
      %get3A_226 = vector.shape_cast %get3A_225 : vector<1x1x16xf32> to vector<16xf32>
      %add3A_227 = arith.addf %scan3A_172, %get3A_226 : vector<16xf32>
      scf.yield %add3A_178, %add3A_185, %add3A_192, %add3A_199, %add3A_206, %add3A_213, %add3A_220, %add3A_227 : vector<16xf32>, vector<16xf32>, vector<16xf32>, vector<16xf32>, vector<16xf32>, vector<16xf32>, vector<16xf32>, vector<16xf32>
    }
    %scan3A_132 = arith.constant 128 : i32
    %swap3A = arith.constant 0 : index
    %swap3A_133 = tpu.vector_load %arg7[%swap3A] {strides = array<i32>} : memref<128xf32, #tpu.memory_space<vmem>>, vector<16xf32>,
    %swap3A_134 = vector.shape_cast %swap3A_133 : vector<16xf32> to vector<16xf32>
    %swap3A_135 = vector.shape_cast %scan3A_131#0 : vector<16xf32> to vector<16xf32>
    tpu.vector_store %arg7[%swap3A], %swap3A_135 {strides = array<i32>} : memref<128xf32, #tpu.memory_space<vmem>>, vector<16xf32>,
    %swap3A_136 = arith.constant 16 : index
    %swap3A_137 = tpu.vector_load %arg7[%swap3A_136] {strides = array<i32>} : memref<128xf32, #tpu.memory_space<vmem>>, vector<16xf32>,
    %swap3A_138 = vector.shape_cast %swap3A_137 : vector<16xf32> to vector<16xf32>
    %swap3A_139 = vector.shape_cast %scan3A_131#1 : vector<16xf32> to vector<16xf32>
    tpu.vector_store %arg7[%swap3A_136], %swap3A_139 {strides = array<i32>} : memref<128xf32, #tpu.memory_space<vmem>>, vector<16xf32>,
    %swap3A_140 = arith.constant 32 : index
    %swap3A_141 = tpu.vector_load %arg7[%swap3A_140] {strides = array<i32>} : memref<128xf32, #tpu.memory_space<vmem>>, vector<16xf32>,
    %swap3A_142 = vector.shape_cast %swap3A_141 : vector<16xf32> to vector<16xf32>
    %swap3A_143 = vector.shape_cast %scan3A_131#2 : vector<16xf32> to vector<16xf32>
    tpu.vector_store %arg7[%swap3A_140], %swap3A_143 {strides = array<i32>} : memref<128xf32, #tpu.memory_space<vmem>>, vector<16xf32>,
    %swap3A_144 = arith.constant 48 : index
    %swap3A_145 = tpu.vector_load %arg7[%swap3A_144] {strides = array<i32>} : memref<128xf32, #tpu.memory_space<vmem>>, vector<16xf32>,
    %swap3A_146 = vector.shape_cast %swap3A_145 : vector<16xf32> to vector<16xf32>
    %swap3A_147 = vector.shape_cast %scan3A_131#3 : vector<16xf32> to vector<16xf32>
    tpu.vector_store %arg7[%swap3A_144], %swap3A_147 {strides = array<i32>} : memref<128xf32, #tpu.memory_space<vmem>>, vector<16xf32>,
    %swap3A_148 = arith.constant 64 : index
    %swap3A_149 = tpu.vector_load %arg7[%swap3A_148] {strides = array<i32>} : memref<128xf32, #tpu.memory_space<vmem>>, vector<16xf32>,
    %swap3A_150 = vector.shape_cast %swap3A_149 : vector<16xf32> to vector<16xf32>
    %swap3A_151 = vector.shape_cast %scan3A_131#4 : vector<16xf32> to vector<16xf32>
    tpu.vector_store %arg7[%swap3A_148], %swap3A_151 {strides = array<i32>} : memref<128xf32, #tpu.memory_space<vmem>>, vector<16xf32>,
    %swap3A_152 = arith.constant 80 : index
    %swap3A_153 = tpu.vector_load %arg7[%swap3A_152] {strides = array<i32>} : memref<128xf32, #tpu.memory_space<vmem>>, vector<16xf32>,
    %swap3A_154 = vector.shape_cast %swap3A_153 : vector<16xf32> to vector<16xf32>
    %swap3A_155 = vector.shape_cast %scan3A_131#5 : vector<16xf32> to vector<16xf32>
    tpu.vector_store %arg7[%swap3A_152], %swap3A_155 {strides = array<i32>} : memref<128xf32, #tpu.memory_space<vmem>>, vector<16xf32>,
    %swap3A_156 = arith.constant 96 : index
    %swap3A_157 = tpu.vector_load %arg7[%swap3A_156] {strides = array<i32>} : memref<128xf32, #tpu.memory_space<vmem>>, vector<16xf32>,
    %swap3A_158 = vector.shape_cast %swap3A_157 : vector<16xf32> to vector<16xf32>
    %swap3A_159 = vector.shape_cast %scan3A_131#6 : vector<16xf32> to vector<16xf32>
    tpu.vector_store %arg7[%swap3A_156], %swap3A_159 {strides = array<i32>} : memref<128xf32, #tpu.memory_space<vmem>>, vector<16xf32>,
    %swap3A_160 = arith.constant 112 : index
    %swap3A_161 = tpu.vector_load %arg7[%swap3A_160] {strides = array<i32>} : memref<128xf32, #tpu.memory_space<vmem>>, vector<16xf32>,
    %swap3A_162 = vector.shape_cast %swap3A_161 : vector<16xf32> to vector<16xf32>
    %swap3A_163 = vector.shape_cast %scan3A_131#7 : vector<16xf32> to vector<16xf32>
    tpu.vector_store %arg7[%swap3A_160], %swap3A_163 {strides = array<i32>} : memref<128xf32, #tpu.memory_space<vmem>>, vector<16xf32>,
    "tpu.region"() ({
      %run_scoped3A = tpu.sem_alloc : memref<!tpu.dma_semaphore, #tpu.memory_space<semaphore_mem>>
      %dma_start3A_164 = arith.constant 0 : i32
      %dma_start3A_165 = tpu.memref_slice %arg4[%add3A, %dma_start3A_164] : memref<32x128xf32, #tpu.memory_space<hbm>> -> memref<1x128xf32, #tpu.memory_space<hbm>>
      %dma_start3A_166 = tpu.memref_squeeze %dma_start3A_165 : memref<1x128xf32, #tpu.memory_space<hbm>> -> memref<128xf32, #tpu.memory_space<hbm>>
      %dma_start3A_167 = arith.constant 0 : i32
      %dma_start3A_168 = tpu.memref_slice %arg4[%add3A, %dma_start3A_167] : memref<32x128xf32, #tpu.memory_space<hbm>> -> memref<1x128xf32, #tpu.memory_space<hbm>>
      %dma_start3A_169 = tpu.memref_squeeze %dma_start3A_168 : memref<1x128xf32, #tpu.memory_space<hbm>> -> memref<128xf32, #tpu.memory_space<hbm>>
      tpu.enqueue_dma source(%arg7 : memref<128xf32, #tpu.memory_space<vmem>>) target(%dma_start3A_169 : memref<128xf32, #tpu.memory_space<hbm>>) target_semaphore(%run_scoped3A : memref<!tpu.dma_semaphore, #tpu.memory_space<semaphore_mem>>)
      %dma_wait3A_170 = arith.constant 0 : i32
      %dma_wait3A_171 = tpu.memref_slice %arg4[%add3A, %dma_wait3A_170] : memref<32x128xf32, #tpu.memory_space<hbm>> -> memref<1x128xf32, #tpu.memory_space<hbm>>
      %dma_wait3A_172 = tpu.memref_squeeze %dma_wait3A_171 : memref<1x128xf32, #tpu.memory_space<hbm>> -> memref<128xf32, #tpu.memory_space<hbm>>
      %dma_wait3A_173 = arith.constant 0 : i32
      %dma_wait3A_174 = tpu.memref_slice %arg4[%add3A, %dma_wait3A_173] : memref<32x128xf32, #tpu.memory_space<hbm>> -> memref<1x128xf32, #tpu.memory_space<hbm>>
      %dma_wait3A_175 = tpu.memref_squeeze %dma_wait3A_174 : memref<1x128xf32, #tpu.memory_space<hbm>> -> memref<128xf32, #tpu.memory_space<hbm>>
      tpu.wait_dma2 semaphore(%run_scoped3A : memref<!tpu.dma_semaphore, #tpu.memory_space<semaphore_mem>>) src(%arg7 : memref<128xf32, #tpu.memory_space<vmem>>) dst(%dma_wait3A_175 : memref<128xf32, #tpu.memory_space<hbm>>)
      tpu.yield
    }) : () -> ()
    return
  }
}

module attributes {stable_mosaic.version = 14 : i64} {
  func.func @_tc_body(%arg0: memref<1xi32, #tpu.memory_space<smem>>, %arg1: memref<32x128xf32, #tpu.memory_space<vmem>>, %arg2: memref<128x1024xf32, #tpu.memory_space<vmem>>, %arg3: memref<1x1024xf32, #tpu.memory_space<vmem>>, %arg4: memref<1x1xf32, #tpu.memory_space<smem>>) attributes {dimension_semantics = [], scalar_prefetch = 0 : i64, scratch_operands = 0 : i64, tpu.core_type = #tpu.core_type<tc>} {
    %get3A = arith.constant 0 : index
    %get3A_0 = arith.constant 0 : index
    %get3A_1 = vector.load %arg1[%get3A, %get3A_0] : memref<32x128xf32, #tpu.memory_space<vmem>>, vector<32x128xf32>
    %reduce_sum3A = arith.constant dense<0.000000e+00> : vector<128xf32>
    %reduce_sum3A_2 = vector.multi_reduction <add>, %get3A_1, %reduce_sum3A [0] : vector<32x128xf32> to vector<128xf32>
    %broadcast_in_dim3A = vector.shape_cast %reduce_sum3A_2 : vector<128xf32> to vector<1x128xf32>
    %get3A_3 = arith.constant 0 : index
    %get3A_4 = arith.constant 0 : index
    %get3A_5 = vector.load %arg2[%get3A_3, %get3A_4] : memref<128x1024xf32, #tpu.memory_space<vmem>>, vector<128x1024xf32>
    %dot_general3A = arith.constant dense<0.000000e+00> : vector<1x1024xf32>
    %dot_general3A_6 = tpu.matmul %broadcast_in_dim3A, %get3A_5, %dot_general3A {dimension_numbers = #tpu.dot_dimension_numbers<[1], [0], [0], [1], [0, 0, 1, 1], [], []>, transpose_lhs_hint = false} : vector<1x128xf32>, vector<128x1024xf32>, vector<1x1024xf32> -> vector<1x1024xf32>
    %get3A_7 = arith.constant 0 : index
    %get3A_8 = arith.constant 0 : index
    %get3A_9 = vector.load %arg3[%get3A_7, %get3A_8] : memref<1x1024xf32, #tpu.memory_space<vmem>>, vector<1x1024xf32>
    %add3A = arith.addf %dot_general3A_6, %get3A_9 : vector<1x1024xf32>
    %reduce_max3A = vector.shape_cast %add3A : vector<1x1024xf32> to vector<1x1x1024xf32>
    %reduce_max3A_10 = arith.constant dense<0xFF800000> : vector<1xf32>
    %reduce_max3A_11 = vector.multi_reduction <maximumf>, %reduce_max3A, %reduce_max3A_10 [1, 2] : vector<1x1x1024xf32> to vector<1xf32>
    %reduce_max3A_12 = vector.shape_cast %reduce_max3A_11 : vector<1xf32> to vector<1x1x1xf32>
    %reduce_max3A_13 = vector.extract %reduce_max3A_12[0, 0, 0] : f32 from vector<1x1x1xf32>
    %sub3A = vector.broadcast %reduce_max3A_13 : f32 to vector<1x1024xf32>
    %sub3A_14 = arith.subf %add3A, %sub3A : vector<1x1024xf32>
    %exp3A = math.exp %sub3A_14 : vector<1x1024xf32>
    %reduce_sum3A_15 = vector.shape_cast %exp3A : vector<1x1024xf32> to vector<1x1x1024xf32>
    %reduce_sum3A_16 = arith.constant dense<0.000000e+00> : vector<1xf32>
    %reduce_sum3A_17 = vector.multi_reduction <add>, %reduce_sum3A_15, %reduce_sum3A_16 [1, 2] : vector<1x1x1024xf32> to vector<1xf32>
    %reduce_sum3A_18 = vector.shape_cast %reduce_sum3A_17 : vector<1xf32> to vector<1x1x1xf32>
    %reduce_sum3A_19 = vector.extract %reduce_sum3A_18[0, 0, 0] : f32 from vector<1x1x1xf32>
    %log3A = math.log %reduce_sum3A_19 : f32
    %add3A_20 = arith.addf %log3A, %reduce_max3A_13 : f32
    %iota3A = tpu.iota {dimensions = array<i32: 1>} : vector<1x1024xi32>
    %get3A_21 = arith.constant 0 : index
    %get3A_22 = memref.load %arg0[%get3A_21] : memref<1xi32, #tpu.memory_space<smem>>
    %eq3A = vector.broadcast %get3A_22 : i32 to vector<1x1024xi32>
    %eq3A_23 = arith.cmpi eq, %iota3A, %eq3A : vector<1x1024xi32>
    %jit3A = arith.constant 0.000000e+00 : f32
    %broadcast_in_dim3A_24 = vector.broadcast %jit3A : f32 to vector<1x1024xf32>
    %select_n3A = arith.select %eq3A_23, %add3A, %broadcast_in_dim3A_24 : vector<1x1024xi1>, vector<1x1024xf32>
    %reduce_sum3A_25 = vector.shape_cast %select_n3A : vector<1x1024xf32> to vector<1x1x1024xf32>
    %reduce_sum3A_26 = arith.constant dense<0.000000e+00> : vector<1xf32>
    %reduce_sum3A_27 = vector.multi_reduction <add>, %reduce_sum3A_25, %reduce_sum3A_26 [1, 2] : vector<1x1x1024xf32> to vector<1xf32>
    %reduce_sum3A_28 = vector.shape_cast %reduce_sum3A_27 : vector<1xf32> to vector<1x1x1xf32>
    %reduce_sum3A_29 = vector.extract %reduce_sum3A_28[0, 0, 0] : f32 from vector<1x1x1xf32>
    %sub3A_30 = arith.subf %add3A_20, %reduce_sum3A_29 : f32
    %swap3A = arith.constant 0 : index
    %swap3A_31 = arith.constant 0 : index
    %swap3A_32 = memref.load %arg4[%swap3A, %swap3A_31] : memref<1x1xf32, #tpu.memory_space<smem>>
    memref.store %sub3A_30, %arg4[%swap3A, %swap3A_31] : memref<1x1xf32, #tpu.memory_space<smem>>
    return
  }
}

</mosaic_0001>

<sc_bundles>
// kernel: kernel.4.cloned.1.call-start
scs
__scs_entry_jumppad:
0x0: {  	(pc) =	sbr.rel $0x88, $3  }
0x1: {  	(tag) =	ssettag $0x0;
	lr =	simm.s32 $0x1  }
0x2: {  	[smem:$0x3F9C] =	sst lr;
	_ =	strace $0xD0000000  }
0x3: {  	_ = 	snop  }
0x4: {  	_ = 	snop  }
0x5: {  	_ = 	snop  }
0x6: {  	_ = 	snop  }
0x7: {  	_ = 	snop  }
__scs_overlays_trampoline_lowered:
0x8: {  	[smem:$0x3FAB] =	sst s0  }
0x9: {  	[smem:$0x3FAC] =	sst s1  }
0xa: {  	[smem:$0x3FAD] =	sst s2  }
0xb: {  	[smem:$0x3FAE] =	sst s3  }
0xc: {  	[smem:$0x3FAF] =	sst s4  }
0xd: {  	[smem:$0x3FB0] =	sst s5  }
0xe: {  	[smem:$0x3FB1] =	sst s6  }
0xf: {  	[smem:$0x3FB2] =	sst s7  }
0x10: {  	[smem:$0x3FB3] =	sst s8  }
0x11: {  	[smem:$0x3FB4] =	sst s9;
	s0 =	simm.s32 @!p0 $0x0  }
0x12: {  	s1 =	sld [smem:$0x3F9A];
	s0 =	simm.s32 @p0 $0x1  }
0x13: {  	[smem:$0x3FB5] =	sst s0;
	s0 =	simm.s32 @!p1 $0x0  }
0x14: {  	s2 =	sld [smem:$0x3F99];
	s0 =	simm.s32 @p1 $0x1  }
0x15: {  	[smem:$0x3FB6] =	sst s0;
	s0 =	simm.s32 @!p2 $0x0  }
0x16: {  	s3 =	sld [smem:$0x3FDB];
	s0 =	simm.s32 @p2 $0x1  }
0x17: {  	s4 =	simm.s32 $0x1BF5;
	[smem:$0x3FB8] =	sst s0  }
0x18: {  	s0 =	sld [smem:$0x3F9B];
	_ =	swait.ge [sflag:s4], $0x0  }
0x19: {  	s7 =	sld [smem:$0x3F9C]  }
0x1a: {  	s8 =	sadd.s32 $0xFFFFE003, lr  }
0x1b: {  	s9 =	sadd.s32 $0xFFFFFEF7, lr;
	s5 =	simm.s32 $0xFFFFFFFF;
	p2 =	slt.u32 s8, $0xFFFFF086  }
0x1c: {  	p1 =	slt.u32 s9, $0xF7A;
	s5 =	simm.s32 @!p2 $0x0  }
0x1d: {  	s5 =	simm.s32 @p1 $0x1;
	p0 =	seq.s32 s7, s2  }
0x1e: {  	s7 =	smul.u32 @!p0 $0xF7A, s2;
	p2 =	seq.s32 @!p0 s5, $0x0  }
0x1f: {  	s9 =	smul.u32 $0xF7A, s1;
	s8 =	simm.s32 @!p0 $0x1BF5;
	p2 =	por !p2, p0  }
0x20: {  	[sflag:s8] =	ssyncset.s32 @!p0 $0xFFFFF086;
	s6 =	sadd.s32 @!p0 s3, s7;
	s7 =	simm.s32 @!p0 $0x108  }
0x21: {  	s3 =	sadd.s32 s3, s9;
	s6 =	sadd.s32 @!p0 $0x88, s6;
	s7 =	simm.s32 @p2 $0x1082  }
0x22: {  	[simem:s7], [sflag:s8] =	dma.local @!p0 [hbm:s6], $0xF7A  }
0x23: {  	s9 =	sor.u32 $0xD0000000, s2;
	s6 =	simm.s32 $0x108;
	_ =	swait.ge @!p0 [sflag:s8], $0x0  }
0x24: {  	s3 =	sadd.s32 $0x88, s3;
	s6 =	simm.s32 @!p1 $0x1082;
	[sflag:s4] =	ssyncset.s32 $0xFFFFF086  }
0x25: {  	[simem:s6], [sflag:s4] =	dma.local [hbm:s3], $0xF7A  }
0x26: {  	[smem:$0x3F9C] =	sst s1;
	(tag) =	ssettag s2;
	_ =	strace s9  }
0x27: {  	s1 =	sld [smem:$0x3FAC]  }
0x28: {  	s2 =	sld [smem:$0x3FAD]  }
0x29: {  	s4 =	sld [smem:$0x3FAF]  }
0x2a: {  	p0 =	seq.s32 s5, $0x0;
	s5 =	sld [smem:$0x3FB0]  }
0x2b: {  	s6 =	sld [smem:$0x3FB1]  }
0x2c: {  	s7 =	sld [smem:$0x3FB2]  }
0x2d: {  	s3 =	simm.s32 $0x108;
	s8 =	sld [smem:$0x3FB3]  }
0x2e: {  	s3 =	simm.s32 @!p0 $0x1082;
	s9 =	sld [smem:$0x3FB4]  }
0x2f: {  	lr =	sadd.s32 s0, s3;
	s0 =	sld [smem:$0x3FAB]  }
0x30: {  	s3 =	sld [smem:$0x3FAE]  }
0x31: {  	[smem:$0x3FB7] =	sst s10  }
0x32: {  	s10 =	sld [smem:$0x3FB5];
	_ =	sdelay $0x3  }
0x33: {  	p0 =	seq.s32 s10, $0x1;
	s10 =	sld [smem:$0x3FB7];
	_ =	sdelay $0x3  }
0x34: {  	[smem:$0x3FB7] =	sst s10  }
0x35: {  	s10 =	sld [smem:$0x3FB6];
	_ =	sdelay $0x3  }
0x36: {  	p1 =	seq.s32 s10, $0x1;
	s10 =	sld [smem:$0x3FB7];
	_ =	sdelay $0x3  }
0x37: {  	[smem:$0x3FB7] =	sst s10  }
0x38: {  	s10 =	sld [smem:$0x3FB8]  }
0x39: {  	_ = 	snop;
	(pc) =	sbr.ind lr, $3  }
0x3a: {  	_ = 	snop  }
0x3b: {  	_ = 	snop  }
0x3c: {  	p2 =	seq.s32 s10, $0x1;
	s10 =	sld [smem:$0x3FB7]  }
0x3d: {  	_ =	shalt  }
0x3e: {  	_ =	shalt  }
0x3f: {  	_ =	shalt  }
0x40: {  	_ =	shalt  }
0x41: {  	_ =	shalt  }
0x42: {  	_ =	shalt  }
0x43: {  	_ =	shalt  }
0x44: {  	_ =	shalt  }
0x45: {  	_ =	shalt  }
0x46: {  	_ =	shalt  }
0x47: {  	_ =	shalt  }
0x48: {  	_ =	shalt  }
0x49: {  	_ =	shalt  }
0x4a: {  	_ =	shalt  }
0x4b: {  	_ =	shalt  }
0x4c: {  	_ =	shalt  }
0x4d: {  	_ =	shalt  }
0x4e: {  	_ =	shalt  }
0x4f: {  	_ =	shalt  }
0x50: {  	_ =	shalt  }
0x51: {  	_ =	shalt  }
0x52: {  	_ =	shalt  }
0x53: {  	_ =	shalt  }
0x54: {  	_ =	shalt  }
0x55: {  	_ =	shalt  }
0x56: {  	_ =	shalt  }
0x57: {  	_ =	shalt  }
0x58: {  	_ =	shalt  }
0x59: {  	_ =	shalt  }
0x5a: {  	_ =	shalt  }
0x5b: {  	_ =	shalt  }
0x5c: {  	_ =	shalt  }
0x5d: {  	_ =	shalt  }
0x5e: {  	_ =	shalt  }
0x5f: {  	_ =	shalt  }
0x60: {  	_ =	shalt  }
0x61: {  	_ =	shalt  }
0x62: {  	_ =	shalt  }
0x63: {  	_ =	shalt  }
0x64: {  	_ =	shalt  }
0x65: {  	_ =	shalt  }
0x66: {  	_ =	shalt  }
0x67: {  	_ =	shalt  }
0x68: {  	_ =	shalt  }
0x69: {  	_ =	shalt  }
0x6a: {  	_ =	shalt  }
0x6b: {  	_ =	shalt  }
0x6c: {  	_ =	shalt  }
0x6d: {  	_ =	shalt  }
0x6e: {  	_ =	shalt  }
0x6f: {  	_ =	shalt  }
0x70: {  	_ =	shalt  }
0x71: {  	_ =	shalt  }
0x72: {  	_ =	shalt  }
0x73: {  	_ =	shalt  }
0x74: {  	_ =	shalt  }
0x75: {  	_ =	shalt  }
0x76: {  	_ =	shalt  }
0x77: {  	_ =	shalt  }
0x78: {  	_ =	shalt  }
0x79: {  	_ =	shalt  }
0x7a: {  	_ =	shalt  }
0x7b: {  	_ =	shalt  }
0x7c: {  	_ =	shalt  }
0x7d: {  	_ =	shalt  }
0x7e: {  	_ =	shalt  }
0x7f: {  	_ =	shalt  }
0x80: {  	_ =	shalt  }
0x81: {  	_ =	shalt  }
0x82: {  	_ =	shalt  }
0x83: {  	_ =	shalt  }
0x84: {  	_ =	shalt  }
0x85: {  	_ =	shalt  }
0x86: {  	_ =	shalt  }
0x87: {  	_ =	shalt  }
.Lfunc_end0:
.L_simem_size_0:
called_computation_lowered:
.L_overlay_start_0:
0x88: {  	s2 =	sld [smem:$0x3FD9]  }
0x89: {  	s3 =	sld [smem:$0x3FFE];
	_ =	sdelay $0x1  }
0x8a: {  	s1 =	srdreg.scid  }
0x8b: {  	s0 =	sand.u32 $0x1, s1  }
0x8c: {  	s17 =	sshll.u32 s0, $0xA;
	s2 =	sadd.s32 s3, s2  }
0x8d: {  	s2 =	sadd.s32 s2, s17  }
0x8e: {  	[smem:$0x3FC3] =	sst s2  }
0x8f: {  	_ = 	snop  }
0x90: {  	s2 =	sld [smem:$0x3FC9]  }
0x91: {  	s18 =	sld [smem:$0x3FC8];
	(tm) =	ssettm $0x1  }
0x92: {  	s4 =	sld [smem:$0x3FFB];
	_ =	sdelay $0x3  }
0x93: {  	_ =	strace s4  }
0x94: {  	s4 =	sld [smem:$0x3FFC];
	_ =	sdelay $0x3  }
0x95: {  	_ =	strace s4  }
0x96: {  	s4 =	sld [smem:$0x3FFD];
	_ =	sdelay $0x3  }
0x97: {  	_ =	strace s4  }
0x98: {  	_ =	strace $0x8FFFFFFF  }
0x99: {  	s19 =	sld [smem:$0x3FDB];
	_ =	sdelay $0x1  }
0x9a: {  	s5 =	simm.s32 $_scs_section_size  }
0x9b: {  	s6 =	simm.s32 $_size__tile_overlayer_lowered;
	s7 =	simm.s32 $_tile_overlayer_lowered  }
0x9c: {  	s22 =	simm.s32 $0x1BFF;
	s21 =	sshll.u32 s7, $0x1;
	s4 =	sadd.s32 s5, s19  }
0x9d: {  	s8 =	simm.s32 $0x0;
	s20 =	sshll.u32 s6, $0x1;
	s6 =	sadd.s32 s21, s4  }
0x9e: {  	[timem:s8], [sflag:s22] =	dma.local [hbm:s6], s20  }
0x9f: {  	_ =	swait.ge [sflag:s22], s20  }
0xa0: {  	s5 =	ssub.s32 $0x0, s20;
	[sflag:s22] =	ssyncset.done $0x0  }
0xa1: {  	[sflag:s22] =	ssyncadd.s32 s5;
	_ =	sdelay $0x1  }
0xa2: {  	s23 =	simm.s32 $0x1B8B  }
0xa3: {  	_ =	swait.ge [sflag:s23], $0x1  }
0xa4: {  	[sflag:s23] =	ssyncset.done $0x0  }
0xa5: {  	s25 =	simm.s32 $0x1B8E;
	s24 =	sld [smem:$0x3FFE];
	[sflag:s23] =	ssyncadd.s32 $0xFFFFFFFF  }
0xa6: {  	s26 =	simm.s32 $execute0_lowered;
	[smem:$0x3FD2] =	sst s25  }
0xa7: {  	s6 =	sshll.u32 s26, $0x1;
	_ =	strace $0x80000046;
	[dreg:$0x1] =	wrdreg $0xFFFFFFFF  }
0xa8: {  	s28 =	simm.s32 $_size_execute0_lowered;
	s4 =	sadd.s32 s4, s6;
	[dreg:$0x0] =	wrdreg $0x0  }
0xa9: {  	s6 =	sshll.u32 s28, $0x1;
	[dreg:$0x2] =	wrdreg s4  }
0xaa: {  	[dreg:$0x3] =	wrdreg s6  }
0xab: {  	[dreg:$0x4] =	wrdreg $0xC0  }
0xac: {  	_ =	task [dreg:s8], $0x5FFFF  }
0xad: {  	[dreg:$0x1] =	wrdreg $0xFFFFFFFF  }
0xae: {  	[dreg:$0x0] =	wrdreg $0x60  }
0xaf: {  	[dreg:$0x2] =	wrdreg s2  }
0xb0: {  	[dreg:$0x3] =	wrdreg s18  }
0xb1: {  	[dreg:$0x4] =	wrdreg s24  }
0xb2: {  	[dreg:$0x5] =	wrdreg $0x9  }
0xb3: {  	_ =	task.clear_ibuf [dreg:s8], $0x6FFFF;
	_ =	strace $0x90000046  }
0xb4: {  	s29 =	simm.s32 $0x9;
	_ =	strace $0x80000048  }
0xb5: {  	_ =	swait.ge [sflag:s29], $0x1  }
0xb6: {  	[sflag:s29] =	ssyncadd.s32 $0xFFFFFFFF  }
0xb7: {  	_ =	strace $0x90000048  }
0xb8: {  	_ =	sfence  }
0xb9: {  	s30 =	sld [smem:$0x0];
	_ =	sdelay $0x2  }
0xba: {  	s31 =	sshll.u32 s1, $0xD;
	s1 =	sshrl.u32 s1, $0x2  }
0xbb: {  	s3 =	sand.u32 $0x4000, s31;
	s1 =	sadd.s32 s1, s30  }
0xbc: {  	s0 =	sor.u32 s3, s0;
	s1 =	sshll.u32 s1, $0x11  }
0xbd: {  	s0 =	sor.u32 s1, s0  }
0xbe: {  	s0 =	sadd.s32 $0x8F2B, s0  }
0xbf: {  	[sflag:s0] =	ssyncadd.remote.s32 $0x1  }
0xc0: {  	_ =	sfence.sel $0xFFFF  }
0xc1: {  	[dreg:$0x0] =	wrdreg $0xFFFFFFFF;
	(pc) =	sbr.abs _section_cstart, $3  }
0xc2: {  	[dreg:$0x1] =	wrdreg $0xFFFFFFFF  }
0xc3: {  	_ =	task.clear_ibuf [dreg:s8], $0x2FFFF;
	_ =	strace $0x9FFFFFFF  }
0xc4: {  	(tm) =	ssettm $0x7FFFFFFF  }
0xc5: {  	_ =	shalt  }
tec
execute0_lowered:
.L_overlay_start_1:
0x0: {  	(tag) =	ssettag $0x1  }
0x1: {  	s4 =	rddreg [dreg:$0x0]  }
0x2: {  	s2 =	rddreg [dreg:$0x1]  }
0x3: {  	s5 =	rddreg [dreg:$0x2]  }
0x4: {  	s0 =	rddreg [dreg:$0x3]  }
0x5: {  	s6 =	srdreg.scid;
	s1 =	stileid.u32  }
0x6: {  	s3 =	simm.s32 $0x0;
	s10 =	simm.s32 $0x4200;
	s11 =	simm.s32 $0x1  }
0x7: {  	s12 =	simm.s32 $0x100;
	s13 =	simm.s32 $0x8200;
	s14 =	simm.s32 $0x2  }
0x8: {  	s15 =	simm.s32 $0x180;
	s16 =	simm.s32 $0xC200;
	s17 =	simm.s32 $0x10200  }
0x9: {  	s18 =	simm.s32 $0x0;
	s6 =	sand.u32 $0x1, s6;
	s7 =	sshll.u32 s1, $0x1  }
0xa: {  	[smem:$0x7FF] =	sst s3;
	s7 =	sor.u32 s6, s7;
	s6 =	ssub.s32 $0x2, s6  }
0xb: {  	_ =	strace $0x80000047;
	s8 =	sshll.u32 s7, $0x4;
	s9 =	sshrl.u32 s6, $0x1  }
0xc: {  	s7 =	sshll.u32 s7, $0x6;
	s5 =	sadd.s32 s8, s5;
	s6 =	ssub.s32 s6, s9  }
0xd: {  	s4 =	sadd.s32 s4, s7;
	s7 =	simm.s32 $0x3;
	s8 =	simm.s32 $0x80  }
0xe: {  	s9 =	simm.s32 $0x200;
	s5 =	sadd.s32 $0xA00, s5;
	s6 =	smax.u32 s6, $0x1  }
.LBB2_1:
0xf: {  	[tilespmem:s3], [sflag:$0x3] =	stream.linear.gather [hbm4b:s4+s3], $0x200, $0x38;
	[tilespmem:$0x10280] =	vst v63  }
0x10: {  	_ =	swait.ge [sflag:s7], $0x200  }
0x11: {  	[sflag:s7] =	ssyncset.done $0x0  }
0x12: {  	[sflag:s7] =	ssyncadd.s32 $0xFFFFFE00  }
0x13: {  	[tilespmem:s9], [sflag:$0x1] =	stream.indirect.gather [hbm4b:s2+s8], $0x80, s3, s8, $0xb8;
	[tilespmem:$0x10280] =	vst v63  }
0x14: {  	_ = 	snop  }
0x15: {  	[tilespmem:s10], [sflag:$0x2] =	stream.indirect.gather [hbm4b:s2+s8], $0x80, s8, s8, $0xb8;
	[tilespmem:$0x10280] =	vst v63  }
0x16: {  	_ =	swait.ge [sflag:s11], $0x4000  }
0x17: {  	[sflag:s11] =	ssyncset.done $0x0  }
0x18: {  	s21 =	simm.s32 $0x0;
	[sflag:s11] =	ssyncadd.s32 $0xFFFFC000  }
0x19: {  	v0 =	vld [tilespmem:s21+$0x270]  }
0x1a: {  	v2 =	vld [tilespmem:s21+$0x200]  }
0x1b: {  	v4 =	vld [tilespmem:s21+$0x210]  }
0x1c: {  	v5 =	vld [tilespmem:s21+$0x220]  }
0x1d: {  	v8 =	vld [tilespmem:s21+$0x230]  }
0x1e: {  	v3 =	vimm.f32 $0.0e+00;
	v9 =	vimm.f32 $0.0e+00;
	v6 =	vld [tilespmem:s21+$0x240]  }
0x1f: {  	v10 =	vimm.f32 $0.0e+00;
	v7 =	vimm.f32 $0.0e+00;
	v11 =	vld [tilespmem:s21+$0x250];
	v1 =	vadd.f32 v0, v3  }
0x20: {  	s19 =	simm.s32 $0x80;
	s20 =	simm.s32 $0x400;
	v12 =	vld [tilespmem:s21+$0x260];
	v0 =	vadd.f32 v2, v3;
	v2 =	vadd.f32 v4, v3;
	v4 =	vimm.f32 $0.0e+00  }
.LBB2_2:
0x21: {  	p0 =	sne.s32 s20, $0xFE00;
	v13 =	vld [tilespmem:s19+$0x270];
	v3 =	vadd.f32 v5, v3  }
0x22: {  	v14 =	vld [tilespmem:s19+$0x200];
	v4 =	vadd.f32 v8, v4  }
0x23: {  	v15 =	vld [tilespmem:s19+$0x210];
	v9 =	vadd.f32 v6, v9  }
.Ltmp0:
0x24: {  	v5 =	vld [tilespmem:s19+$0x220];
	v10 =	vadd.f32 v11, v10;
	(pc) =	sbr.rel @p0 .LBB2_2-.Ltmp0, $4  }
0x25: {  	v8 =	vld [tilespmem:s19+$0x230];
	v7 =	vadd.f32 v12, v7  }
0x26: {  	v6 =	vld [tilespmem:s19+$0x240];
	v1 =	vadd.f32 v13, v1  }
0x27: {  	v0 =	vadd.f32 v14, v0;
	v11 =	vld [tilespmem:s19+$0x250]  }
0x28: {  	v2 =	vadd.f32 v15, v2;
	v12 =	vld [tilespmem:s19+$0x260];
	s19 =	sshra.s32 s20, $0x2;
	s20 =	sadd.s32 $0x200, s20  }
0x29: {  	v13 =	vld [tilespmem:s19+$0x270]  }
0x2a: {  	v14 =	vld [tilespmem:s19+$0x200]  }
0x2b: {  	v15 =	vld [tilespmem:s19+$0x210]  }
0x2c: {  	v16 =	vld [tilespmem:s19+$0x220]  }
0x2d: {  	v17 =	vld [tilespmem:s19+$0x230]  }
0x2e: {  	v18 =	vld [tilespmem:s19+$0x240]  }
0x2f: {  	v19 =	vld [tilespmem:s19+$0x250]  }
0x30: {  	v20 =	vld [tilespmem:s19+$0x260];
	[tilespmem:s13], [sflag:$0x1] =	stream.indirect.gather [hbm4b:s2+s8], $0x80, s12, s8, $0xb8  }
0x31: {  	_ =	swait.ge [sflag:s14], $0x4000  }
0x32: {  	[sflag:s14] =	ssyncset.done $0x0  }
0x33: {  	s21 =	simm.s32 $0x0;
	[sflag:s14] =	ssyncadd.s32 $0xFFFFC000  }
0x34: {  	v3 =	vadd.f32 v5, v3;
	v4 =	vadd.f32 v8, v4;
	v5 =	vld [tilespmem:s21+$0x4270]  }
0x35: {  	v6 =	vadd.f32 v6, v9;
	v10 =	vadd.f32 v11, v10;
	v21 =	vld [tilespmem:s21+$0x4200]  }
0x36: {  	v7 =	vadd.f32 v12, v7;
	v12 =	vld [tilespmem:s21+$0x4210];
	v11 =	vadd.f32 v13, v1  }
0x37: {  	v8 =	vld [tilespmem:s21+$0x4220];
	v13 =	vadd.f32 v14, v0;
	v14 =	vadd.f32 v15, v2  }
0x38: {  	v9 =	vld [tilespmem:s21+$0x4230];
	v0 =	vadd.f32 v16, v3;
	v1 =	vadd.f32 v17, v4  }
0x39: {  	v2 =	vadd.f32 v18, v6;
	v3 =	vadd.f32 v19, v10;
	v10 =	vld [tilespmem:s21+$0x4240]  }
0x3a: {  	v4 =	vadd.f32 v20, v7;
	v5 =	vadd.f32 v5, v11;
	v11 =	vld [tilespmem:s21+$0x4250]  }
0x3b: {  	s19 =	simm.s32 $0x80;
	s20 =	simm.s32 $0x400;
	v6 =	vadd.f32 v21, v13;
	v7 =	vadd.f32 v12, v14;
	v12 =	vld [tilespmem:s21+$0x4260]  }
.LBB2_4:
0x3c: {  	p0 =	sne.s32 s20, $0xFE00;
	v13 =	vld [tilespmem:s19+$0x4270];
	v0 =	vadd.f32 v8, v0  }
0x3d: {  	v14 =	vld [tilespmem:s19+$0x4200];
	v1 =	vadd.f32 v9, v1  }
0x3e: {  	v15 =	vld [tilespmem:s19+$0x4210];
	v2 =	vadd.f32 v10, v2  }
.Ltmp1:
0x3f: {  	v8 =	vld [tilespmem:s19+$0x4220];
	v3 =	vadd.f32 v11, v3;
	(pc) =	sbr.rel @p0 .LBB2_4-.Ltmp1, $4  }
0x40: {  	v9 =	vld [tilespmem:s19+$0x4230];
	v4 =	vadd.f32 v12, v4  }
0x41: {  	v10 =	vld [tilespmem:s19+$0x4240];
	v5 =	vadd.f32 v13, v5  }
0x42: {  	v6 =	vadd.f32 v14, v6;
	v11 =	vld [tilespmem:s19+$0x4250]  }
0x43: {  	v7 =	vadd.f32 v15, v7;
	v12 =	vld [tilespmem:s19+$0x4260];
	s19 =	sshra.s32 s20, $0x2;
	s20 =	sadd.s32 $0x200, s20  }
0x44: {  	v13 =	vld [tilespmem:s19+$0x4270]  }
0x45: {  	v14 =	vld [tilespmem:s19+$0x4200]  }
0x46: {  	v15 =	vld [tilespmem:s19+$0x4210]  }
0x47: {  	v16 =	vld [tilespmem:s19+$0x4220]  }
0x48: {  	v17 =	vld [tilespmem:s19+$0x4230]  }
0x49: {  	v18 =	vld [tilespmem:s19+$0x4240]  }
0x4a: {  	v19 =	vld [tilespmem:s19+$0x4250]  }
0x4b: {  	v20 =	vld [tilespmem:s19+$0x4260];
	[tilespmem:s16], [sflag:$0x2] =	stream.indirect.gather [hbm4b:s2+s8], $0x80, s15, s8, $0xb8  }
0x4c: {  	_ =	swait.ge [sflag:s11], $0x4000  }
0x4d: {  	[sflag:s11] =	ssyncset.done $0x0  }
0x4e: {  	s21 =	simm.s32 $0x0;
	[sflag:s11] =	ssyncadd.s32 $0xFFFFC000  }
0x4f: {  	v0 =	vadd.f32 v8, v0;
	v1 =	vadd.f32 v9, v1;
	v21 =	vld [tilespmem:s21+$0x8270]  }
0x50: {  	v2 =	vadd.f32 v10, v2;
	v3 =	vadd.f32 v11, v3;
	v22 =	vld [tilespmem:s21+$0x8200]  }
0x51: {  	v4 =	vadd.f32 v12, v4;
	v12 =	vld [tilespmem:s21+$0x8210];
	v5 =	vadd.f32 v13, v5  }
0x52: {  	v8 =	vld [tilespmem:s21+$0x8220];
	v6 =	vadd.f32 v14, v6;
	v7 =	vadd.f32 v15, v7  }
0x53: {  	v9 =	vld [tilespmem:s21+$0x8230];
	v0 =	vadd.f32 v16, v0;
	v1 =	vadd.f32 v17, v1  }
0x54: {  	v10 =	vld [tilespmem:s21+$0x8240];
	v2 =	vadd.f32 v18, v2;
	v3 =	vadd.f32 v19, v3  }
0x55: {  	v11 =	vld [tilespmem:s21+$0x8250];
	v4 =	vadd.f32 v20, v4;
	v5 =	vadd.f32 v21, v5  }
0x56: {  	s19 =	simm.s32 $0x80;
	s20 =	simm.s32 $0x400;
	v6 =	vadd.f32 v22, v6;
	v7 =	vadd.f32 v12, v7;
	v12 =	vld [tilespmem:s21+$0x8260]  }
.LBB2_6:
0x57: {  	p0 =	sne.s32 s20, $0xFE00;
	v13 =	vld [tilespmem:s19+$0x8270];
	v0 =	vadd.f32 v8, v0  }
0x58: {  	v14 =	vld [tilespmem:s19+$0x8200];
	v1 =	vadd.f32 v9, v1  }
0x59: {  	v15 =	vld [tilespmem:s19+$0x8210];
	v2 =	vadd.f32 v10, v2  }
.Ltmp2:
0x5a: {  	v8 =	vld [tilespmem:s19+$0x8220];
	v3 =	vadd.f32 v11, v3;
	(pc) =	sbr.rel @p0 .LBB2_6-.Ltmp2, $4  }
0x5b: {  	v9 =	vld [tilespmem:s19+$0x8230];
	v4 =	vadd.f32 v12, v4  }
0x5c: {  	v10 =	vld [tilespmem:s19+$0x8240];
	v5 =	vadd.f32 v13, v5  }
0x5d: {  	v6 =	vadd.f32 v14, v6;
	v11 =	vld [tilespmem:s19+$0x8250]  }
0x5e: {  	v7 =	vadd.f32 v15, v7;
	v12 =	vld [tilespmem:s19+$0x8260];
	s19 =	sshra.s32 s20, $0x2;
	s20 =	sadd.s32 $0x200, s20  }
0x5f: {  	v13 =	vld [tilespmem:s19+$0x8270]  }
0x60: {  	v14 =	vld [tilespmem:s19+$0x8200]  }
0x61: {  	v15 =	vld [tilespmem:s19+$0x8210]  }
0x62: {  	v16 =	vld [tilespmem:s19+$0x8220]  }
0x63: {  	v17 =	vld [tilespmem:s19+$0x8230]  }
0x64: {  	v18 =	vld [tilespmem:s19+$0x8240]  }
0x65: {  	v19 =	vld [tilespmem:s19+$0x8250]  }
0x66: {  	v20 =	vld [tilespmem:s19+$0x8260];
	_ =	swait.ge [sflag:s14], $0x4000  }
0x67: {  	[sflag:s14] =	ssyncset.done $0x0  }
0x68: {  	s21 =	simm.s32 $0x0;
	[sflag:s14] =	ssyncadd.s32 $0xFFFFC000  }
0x69: {  	v0 =	vadd.f32 v8, v0;
	v1 =	vadd.f32 v9, v1;
	v9 =	vld [tilespmem:s21+$0xC270]  }
0x6a: {  	v2 =	vadd.f32 v10, v2;
	v8 =	vadd.f32 v11, v3;
	v10 =	vld [tilespmem:s21+$0xC200]  }
0x6b: {  	v11 =	vadd.f32 v12, v4;
	v12 =	vadd.f32 v13, v5;
	v13 =	vld [tilespmem:s21+$0xC210]  }
0x6c: {  	v14 =	vadd.f32 v14, v6;
	v15 =	vadd.f32 v15, v7;
	v6 =	vld [tilespmem:s21+$0xC220]  }
0x6d: {  	v5 =	vadd.f32 v16, v0;
	v4 =	vadd.f32 v17, v1;
	v7 =	vld [tilespmem:s21+$0xC230]  }
0x6e: {  	v3 =	vadd.f32 v18, v2;
	v2 =	vadd.f32 v19, v8;
	v8 =	vld [tilespmem:s21+$0xC240]  }
0x6f: {  	v1 =	vadd.f32 v20, v11;
	v0 =	vadd.f32 v9, v12;
	v9 =	vld [tilespmem:s21+$0xC250]  }
0x70: {  	s19 =	simm.s32 $0x80;
	s20 =	simm.s32 $0x400;
	v10 =	vadd.f32 v10, v14;
	v12 =	vld [tilespmem:s21+$0xC260];
	v11 =	vadd.f32 v13, v15  }
.LBB2_8:
0x71: {  	p0 =	sne.s32 s20, $0xFE00;
	v13 =	vld [tilespmem:s19+$0xC270];
	v5 =	vadd.f32 v6, v5  }
0x72: {  	v14 =	vld [tilespmem:s19+$0xC200];
	v4 =	vadd.f32 v7, v4  }
0x73: {  	v15 =	vld [tilespmem:s19+$0xC210];
	v3 =	vadd.f32 v8, v3  }
.Ltmp3:
0x74: {  	v6 =	vld [tilespmem:s19+$0xC220];
	v2 =	vadd.f32 v9, v2;
	(pc) =	sbr.rel @p0 .LBB2_8-.Ltmp3, $4  }
0x75: {  	v7 =	vld [tilespmem:s19+$0xC230];
	v1 =	vadd.f32 v12, v1  }
0x76: {  	v8 =	vld [tilespmem:s19+$0xC240];
	v0 =	vadd.f32 v13, v0  }
0x77: {  	v10 =	vadd.f32 v14, v10;
	v9 =	vld [tilespmem:s19+$0xC250]  }
0x78: {  	v11 =	vadd.f32 v15, v11;
	v12 =	vld [tilespmem:s19+$0xC260];
	s19 =	sshra.s32 s20, $0x2;
	s20 =	sadd.s32 $0x200, s20  }
0x79: {  	v14 =	vld [tilespmem:s19+$0xC200]  }
0x7a: {  	v15 =	vld [tilespmem:s19+$0xC210]  }
0x7b: {  	v16 =	vld [tilespmem:s19+$0xC220]  }
0x7c: {  	v17 =	vld [tilespmem:s19+$0xC230]  }
0x7d: {  	v18 =	vld [tilespmem:s19+$0xC240]  }
0x7e: {  	v5 =	vadd.f32 v6, v5;
	v61 =	vld [tilespmem:s19+$0xC250];
	v60 =	vadd.f32 v14, v10  }
0x7f: {  	v13 =	vld [tilespmem:s19+$0xC270];
	v4 =	vadd.f32 v7, v4;
	v62 =	vadd.f32 v15, v11  }
0x80: {  	v63 =	vld [tilespmem:s19+$0xC260];
	v3 =	vadd.f32 v8, v3;
	v5 =	vadd.f32 v16, v5;
	[tilespmem:$0x10200] =	vst v60  }
0x81: {  	v2 =	vadd.f32 v9, v2;
	v4 =	vadd.f32 v17, v4;
	[tilespmem:$0x10210] =	vst v62  }
0x82: {  	v3 =	vadd.f32 v18, v3;
	[tilespmem:$0x10220] =	vst v5  }
0x83: {  	v1 =	vadd.f32 v12, v1;
	v2 =	vadd.f32 v61, v2;
	[tilespmem:$0x10230] =	vst v4  }
0x84: {  	v0 =	vadd.f32 v13, v0;
	[tilespmem:$0x10240] =	vst v3  }
0x85: {  	s18 =	sadd.s32 $0x1, s18;
	v1 =	vadd.f32 v63, v1;
	[tilespmem:$0x10250] =	vst v2  }
0x86: {  	p0 =	sne.s32 s18, s6;
	[tilespmem:$0x10270] =	vst v0  }
.Ltmp4:
0x87: {  	[tilespmem:$0x10260] =	vst v1;
	(pc) =	sbr.rel @p0 .LBB2_1-.Ltmp4, $4  }
0x88: {  	[hbm4b:s5+s3] =	stream.linear.scatter [tilespmem:s17], [sflag:$0x3], $0x80, $0x38;
	[tilespmem:$0x10280] =	vst v63  }
0x89: {  	_ =	swait.ge [sflag:s7], $0x80  }
0x8a: {  	[sflag:s7] =	ssyncset.done $0x0  }
0x8b: {  	[sflag:s7] =	ssyncadd.s32 $0xFFFFFF80  }
0x8c: {  	_ =	sfence.sel $0x180000  }
0x8d: {  	[bflag:$0x0] =	sbarrier.arrive $0xFFFF  }
0x8e: {  	p0 =	sne.s32 s1, $0x0;
	_ =	strace $0x90000047  }
0x8f: {  	s0 =	sadd.s32 @!p0 $0x100000, s0;
	[bflag:$0x2] =	sbarrier.arrive $0xFFFF  }
0x90: {  	[sflag:s0] =	ssyncadd.tile.s32 @!p0 $0x1;
	_ =	shalt  }
.Lfunc_end2:
_tile_overlayer_lowered:
.L_overlay_start_2:
0x91: {  	(tag) =	ssettag $0x2  }
0x92: {  	s0 =	rddreg [dreg:$0x0];
	s2 =	stileid.u32  }
0x93: {  	s1 =	rddreg [dreg:$0x1];
	p0 =	sne.s32 s2, $0x0  }
0x94: {  	s3 =	rddreg [dreg:$0x2];
	[bflag:$0x3] =	sbarrier.arrive $0xFFFF;
	s2 =	simm.s32 @!p0 $0x1C03  }
0x95: {  	[timem:s3], [sflag:s2] =	dma.local @!p0 [hbm:s0], s1  }
0x96: {  	s0 =	simm.s32 @!p0 $0x3  }
0x97: {  	_ =	swait.ge @!p0 [sflag:s0], s1  }
0x98: {  	s1 =	ssub.s32 @!p0 $0x0, s1;
	[sflag:s0] =	ssyncset.done @!p0 $0x0  }
0x99: {  	[sflag:s0] =	ssyncadd.s32 @!p0 s1  }
0x9a: {  	[bflag:$0x3] =	sbarrier.arrive $0xFFFF  }
0x9b: {  	_ =	shalt  }

</sc_bundles>
